<compile_context>
chip_gen: v7x
topology: tpu7x:2x2x1
jax: 0.10.2.dev20260603
libtpu: 0.0.44.dev20260713+nightly
codegen_flags: <defaults>
</compile_context>

<pallas_src>
import functools

import jax
import jax.numpy as jnp
from jax import lax
from jax.experimental import pallas as pl
from jax.experimental.pallas import tpu as pltpu
from jax.experimental.pallas import tpu_sc as plsc

_L = 16
_NC = 2
_NS = 16
_NW = _NC * _NS
_SHARD = 65536
_RW = 16
_RWS = 4
_TROWS = _NS * _SHARD // _RW
_SENT = 1 << 20


def _shift_up_one(x, lane):
    perm = jnp.minimum(lane + 1, _L - 1)
    dn = lax.GatherDimensionNumbers(
        offset_dims=(), collapsed_slice_dims=(0,), start_index_map=(0,))
    return lax.gather(x, perm[:, None], dn, slice_sizes=(1,),
                      mode=lax.GatherScatterMode.PROMISE_IN_BOUNDS)


def _make_sc_kernel(M, B, D):
    n_vregs = B // _L
    unroll = 8
    nb = B // _NW
    gb = 64
    ng = nb // gb
    hb = nb // 2
    mesh = plsc.VectorSubcoreMesh(core_axis_name="c", subcore_axis_name="s")

    @functools.partial(
        pl.kernel,
        mesh=mesh,
        compiler_params=pltpu.CompilerParams(needs_layout_passes=False, use_tc_tiling_on_sc=False),
        out_type=(
            jax.ShapeDtypeStruct((B, D), jnp.float32),
            jax.ShapeDtypeStruct((_NC, _TROWS, _RW), jnp.int32),
            jax.ShapeDtypeStruct((_NC, B), jnp.int32),
        ),
        scratch_types=[
            pltpu.VMEM((B // _NS,), jnp.int32),
            pltpu.VMEM((B // _NS,), jnp.int32),
            pltpu.VMEM((B // _NW,), jnp.int32),
            pltpu.VMEM((_SHARD // _RW, _RW), jnp.int32),
            pltpu.VMEM((B,), jnp.int32),
            pltpu.VMEM((nb,), jnp.int32),
            pltpu.VMEM((nb,), jnp.int32),
            pltpu.VMEM((3, gb, D), jnp.float32),
            pltpu.SemaphoreType.DMA,
            pltpu.SemaphoreType.DMA,
            pltpu.SemaphoreType.DMA,
            pltpu.SemaphoreType.DMA,
        ],
    )
    def sc_kernel(idx_hbm, val_hbm, out_hbm, table_hbm, midx_hbm, pidx_v,
                  pmidx_v, bidx_v, tslice, midx_v, rowid_v, w_v, rows_v,
                  tsem0, tsem1, vsem0, vsem1):
        c = lax.axis_index("c")
        s = lax.axis_index("s")
        wid = s * _NC + c
        tsems = (tsem0, tsem1)
        vsems = (vsem0, vsem1)

        seg_e = B // _NS
        base = wid * nb
        pltpu.sync_copy(idx_hbm.at[pl.ds(s * seg_e, seg_e)], pidx_v)
        pltpu.sync_copy(idx_hbm.at[pl.ds(base, nb)], bidx_v)
        lane = lax.iota(jnp.int32, _L)
        sent_v = lane * 0 + _SENT

        seg = n_vregs // _NS

        def prep_one(kp, carry):
            off = kp * _L
            v = pidx_v[pl.ds(off, _L)]
            key = v * _L + lane
            skey, _ = plsc.sort_key_val(key, lane)
            sidx = skey >> 4
            nxt = _shift_up_one(sidx, lane)
            lose = (sidx == nxt) & (lane != (_L - 1))
            pmidx_v[pl.ds(off, _L)] = v
            plsc.store_scatter(pmidx_v, [off + (skey & (_L - 1))], sent_v,
                               mask=lose)
            return carry

        lax.fori_loop(0, seg, prep_one, None)
        pltpu.sync_copy(pmidx_v, midx_hbm.at[c, pl.ds(s * seg_e, seg_e)])
        plsc.subcore_barrier()
        pltpu.sync_copy(midx_hbm.at[c], midx_v)

        def scan_one(k):
            v = midx_v[pl.ds(k * _L, _L)]
            mine = (v >> 16) == s
            rel = v & (_SHARD - 1)
            pos = k * _L + lane
            plsc.store_scatter(tslice, [rel >> _RWS, rel & (_RW - 1)], pos,
                               mask=mine)

        def body(k, carry):
            for u in range(unroll):
                scan_one(k * unroll + u)
            return carry

        lax.fori_loop(0, n_vregs // unroll, body, None)

        rows_per_shard = _SHARD // _RW
        pltpu.sync_copy(
            tslice, table_hbm.at[c, pl.ds(s * rows_per_shard,
                                          rows_per_shard)])

        def rowids(k, carry):
            v = bidx_v[pl.ds(k * _L, _L)]
            rowid_v[pl.ds(k * _L, _L)] = v >> _RWS
            return carry

        lax.fori_loop(0, nb // _L, rowids, None)
        plsc.subcore_barrier()

        def start_tgather(h):
            return pltpu.async_copy(
                table_hbm.at[c].at[rowid_v.at[pl.ds(h * hb, hb)]],
                tslice.at[pl.ds(h * hb, hb)], tsems[h])

        def extract_half(h):
            for k in range(hb // _L):
                e = h * hb + k * _L
                v = bidx_v[pl.ds(e, _L)]
                w = plsc.load_gather(tslice, [e + lane, v & (_RW - 1)])
                w_v[pl.ds(e, _L)] = w

        vdepth = 3
        all_vsems = (vsems[0], vsems[1], tsems[0])

        def start_vgather(g):
            return pltpu.async_copy(
                val_hbm.at[w_v.at[pl.ds(g * gb, gb)]],
                rows_v.at[g % vdepth], all_vsems[g % vdepth])

        def drain_vgather(g, vcopies):
            vcopies.pop(g).wait()
            pltpu.sync_copy(rows_v.at[g % vdepth],
                            out_hbm.at[pl.ds(base + g * gb, gb)])

        tcopies = [start_tgather(0), start_tgather(1)]
        vcopies = {}
        tcopies[0].wait()
        extract_half(0)
        for g in range(2):
            vcopies[g] = start_vgather(g)
        tcopies[1].wait()
        extract_half(1)
        for g in range(2, ng):
            vcopies[g] = start_vgather(g)
            drain_vgather(g - 2, vcopies)
        for g in range(ng - 2, ng):
            drain_vgather(g, vcopies)

    return sc_kernel


def kernel(mem, idx, val):
    del mem
    M = 1000000
    B, D = val.shape
    out, _table, _midx = _make_sc_kernel(M, B, D)(idx, val)
    return out

# --- scband reference (transcript-rebuilt; emitter-appended) ---
"""Pipeline reference for scband-base-experience-memory-67602785239112 (READ-ONLY COPY).

The authoritative reference and input builder live on the scoring server;
editing this copy changes nothing except your own understanding.
"""

import jax, jax.numpy as jnp
import numpy as np

M = 1000000
D = 128
B = 16384

def setup_inputs(seed: int = 0) -> dict:
    key = jax.random.key(seed)
    k1, k2, k3 = jax.random.split(key, 3)
    mem = jax.random.normal(k1, (M, D), dtype=jnp.float32)
    idx = jax.random.randint(k2, (B,), 0, M, dtype=jnp.int32)
    val = jax.random.normal(k3, (B, D), dtype=jnp.float32)
    return {"mem": mem, "idx": idx, "val": val}

def reference(mem, idx, val):
    # BaseExperienceMemory.store: scatter-overwrite a batch of experiences
    # into the ring buffer at computed indices (here supplied as idx):
    #   getattr(self, f'memory_{name}')[indices] = val
    new_mem = mem.at[idx].set(val)
    # __getitem__(indices): gather the stored experience batch back out
    #   values = memory_name[indices]
    out = jnp.take(new_mem, idx, axis=0)
    return out

if __name__ == "__main__":
    import jax
    _d = setup_inputs()
    print(jax.jit(kernel)(*tuple(_d.values())))

</pallas_src>

<mosaic_0001>
#map = affine_map<(d0, d1) -> (0)>
#map1 = affine_map<(d0, d1) -> (0, 0)>
#map2 = affine_map<(d0, d1) -> (0, 0, 0)>
module attributes {stable_mosaic.version = 14 : i64} {
  func.func @sc_kernel(%arg0: i32, %arg1: i32, %arg2: memref<16384xi32, #tpu.memory_space<hbm>>, %arg3: memref<16384x128xf32, #tpu.memory_space<hbm>>, %arg4: memref<16384x128xf32, #tpu.memory_space<hbm>>, %arg5: memref<2x65536x16xi32, #tpu.memory_space<hbm>>, %arg6: memref<2x16384xi32, #tpu.memory_space<hbm>>, %arg7: memref<1024xi32, #tpu.memory_space<vmem>>, %arg8: memref<1024xi32, #tpu.memory_space<vmem>>, %arg9: memref<512xi32, #tpu.memory_space<vmem>>, %arg10: memref<4096x16xi32, #tpu.memory_space<vmem>>, %arg11: memref<16384xi32, #tpu.memory_space<vmem>>, %arg12: memref<512xi32, #tpu.memory_space<vmem>>, %arg13: memref<512xi32, #tpu.memory_space<vmem>>, %arg14: memref<3x64x128xf32, #tpu.memory_space<vmem>>, %arg15: memref<!tpu.dma_semaphore, #tpu.memory_space<semaphore_mem>>, %arg16: memref<!tpu.dma_semaphore, #tpu.memory_space<semaphore_mem>>, %arg17: memref<!tpu.dma_semaphore, #tpu.memory_space<semaphore_mem>>, %arg18: memref<!tpu.dma_semaphore, #tpu.memory_space<semaphore_mem>>) attributes {dimension_semantics = [#tpu.dimension_semantics<core_parallel>, #tpu.dimension_semantics<subcore_parallel>], iteration_bounds = array<i64: 2, 16>, scalar_prefetch = 0 : i64, scratch_operands = 12 : i64, tpu.core_type = #tpu.core_type<sc_vector_subcore>, window_params = [{transform_indices = #map}, {transform_indices = #map1}, {transform_indices = #map1}, {transform_indices = #map2}, {transform_indices = #map1}]} {
    %mul3A = arith.constant 2 : i32
    %mul3A_0 = arith.muli %arg1, %mul3A : i32
    %add3A = arith.addi %mul3A_0, %arg0 : i32
    %mul3A_1 = arith.constant 512 : i32
    %mul3A_2 = arith.muli %add3A, %mul3A_1 : i32
    %mul3A_3 = arith.constant 1024 : i32
    %mul3A_4 = arith.muli %arg1, %mul3A_3 : i32
    "tpu.region"() ({
      %run_scoped3A_607 = tpu.sem_alloc : memref<!tpu.dma_semaphore, #tpu.memory_space<semaphore_mem>>
      %dma_start3A_608 = tpu.memref_slice %arg2[%mul3A_4] : memref<16384xi32, #tpu.memory_space<hbm>> -> memref<1024xi32, #tpu.memory_space<hbm>>
      %dma_start3A_609 = tpu.memref_slice %arg2[%mul3A_4] : memref<16384xi32, #tpu.memory_space<hbm>> -> memref<1024xi32, #tpu.memory_space<hbm>>
      tpu.enqueue_dma source(%dma_start3A_609 : memref<1024xi32, #tpu.memory_space<hbm>>) target(%arg7 : memref<1024xi32, #tpu.memory_space<vmem>>) target_semaphore(%run_scoped3A_607 : memref<!tpu.dma_semaphore, #tpu.memory_space<semaphore_mem>>)
      %dma_wait3A_610 = tpu.memref_slice %arg2[%mul3A_4] : memref<16384xi32, #tpu.memory_space<hbm>> -> memref<1024xi32, #tpu.memory_space<hbm>>
      %dma_wait3A_611 = tpu.memref_slice %arg2[%mul3A_4] : memref<16384xi32, #tpu.memory_space<hbm>> -> memref<1024xi32, #tpu.memory_space<hbm>>
      tpu.wait_dma2 semaphore(%run_scoped3A_607 : memref<!tpu.dma_semaphore, #tpu.memory_space<semaphore_mem>>) src(%dma_wait3A_611 : memref<1024xi32, #tpu.memory_space<hbm>>) dst(%arg7 : memref<1024xi32, #tpu.memory_space<vmem>>)
      tpu.yield
    }) : () -> ()
    "tpu.region"() ({
      %run_scoped3A_607 = tpu.sem_alloc : memref<!tpu.dma_semaphore, #tpu.memory_space<semaphore_mem>>
      %dma_start3A_608 = tpu.memref_slice %arg2[%mul3A_2] : memref<16384xi32, #tpu.memory_space<hbm>> -> memref<512xi32, #tpu.memory_space<hbm>>
      %dma_start3A_609 = tpu.memref_slice %arg2[%mul3A_2] : memref<16384xi32, #tpu.memory_space<hbm>> -> memref<512xi32, #tpu.memory_space<hbm>>
      tpu.enqueue_dma source(%dma_start3A_609 : memref<512xi32, #tpu.memory_space<hbm>>) target(%arg9 : memref<512xi32, #tpu.memory_space<vmem>>) target_semaphore(%run_scoped3A_607 : memref<!tpu.dma_semaphore, #tpu.memory_space<semaphore_mem>>)
      %dma_wait3A_610 = tpu.memref_slice %arg2[%mul3A_2] : memref<16384xi32, #tpu.memory_space<hbm>> -> memref<512xi32, #tpu.memory_space<hbm>>
      %dma_wait3A_611 = tpu.memref_slice %arg2[%mul3A_2] : memref<16384xi32, #tpu.memory_space<hbm>> -> memref<512xi32, #tpu.memory_space<hbm>>
      tpu.wait_dma2 semaphore(%run_scoped3A_607 : memref<!tpu.dma_semaphore, #tpu.memory_space<semaphore_mem>>) src(%dma_wait3A_611 : memref<512xi32, #tpu.memory_space<hbm>>) dst(%arg9 : memref<512xi32, #tpu.memory_space<vmem>>)
      tpu.yield
    }) : () -> ()
    %iota3A = tpu.iota {dimensions = array<i32: 0>} : vector<16xi32>
    %mul3A_5 = arith.constant 0 : i32
    %mul3A_6 = vector.broadcast %mul3A_5 : i32 to vector<16xi32>
    %mul3A_7 = arith.muli %iota3A, %mul3A_6 : vector<16xi32>
    %add3A_8 = arith.constant 1048576 : i32
    %add3A_9 = vector.broadcast %add3A_8 : i32 to vector<16xi32>
    %add3A_10 = arith.addi %mul3A_7, %add3A_9 : vector<16xi32>
    %scan3A = arith.constant 0 : i32
    %scan3A_11 = arith.constant 64 : i32
    %scan3A_12 = arith.addi %scan3A, %scan3A_11 : i32
    %scan3A_13 = arith.constant 1 : i32
    scf.for %scan3A_607 = %scan3A to %scan3A_12 step %scan3A_13  : i32 {
      %mul3A_608 = arith.constant 16 : i32
      %mul3A_609 = arith.muli %scan3A_607, %mul3A_608 : i32
      %get3A_610 = arith.index_cast %mul3A_609 : i32 to index
      %get3A_611 = tpu.vector_load %arg7[%get3A_610] {strides = array<i32>} : memref<1024xi32, #tpu.memory_space<vmem>>, vector<16xi32>,
      %mul3A_612 = arith.constant 16 : i32
      %mul3A_613 = vector.broadcast %mul3A_612 : i32 to vector<16xi32>
      %mul3A_614 = arith.muli %get3A_611, %mul3A_613 : vector<16xi32>
      %add3A_615 = arith.addi %mul3A_614, %iota3A : vector<16xi32>
      %masked_sort3A = arith.constant dense<true> : vector<16xi1>
      %masked_sort3A_616 = arith.constant -2147483648 : i32
      %masked_sort3A_617 = vector.broadcast %masked_sort3A_616 : i32 to vector<16xi32>
      %masked_sort3A_618 = arith.xori %add3A_615, %masked_sort3A_617 : vector<16xi32>
      %masked_sort3A_619, %masked_sort3A_620, %masked_sort3A_621 = tpu.sort %masked_sort3A_618, %iota3A masked %masked_sort3A : (vector<16xi32>, vector<16xi32>, vector<16xi1>) -> (vector<16xi1>, vector<16xi32>, vector<16xi32>)
      %masked_sort3A_622 = arith.xori %masked_sort3A_620, %masked_sort3A_617 : vector<16xi32>
      %shift_right_arithmetic3A = arith.constant 4 : i32
      %shift_right_arithmetic3A_623 = vector.broadcast %shift_right_arithmetic3A : i32 to vector<16xi32>
      %shift_right_arithmetic3A_624 = arith.shrsi %masked_sort3A_622, %shift_right_arithmetic3A_623 : vector<16xi32>
      %add3A_625 = arith.constant 1 : i32
      %add3A_626 = vector.broadcast %add3A_625 : i32 to vector<16xi32>
      %add3A_627 = arith.addi %iota3A, %add3A_626 : vector<16xi32>
      %min3A = arith.constant 15 : i32
      %min3A_628 = vector.broadcast %min3A : i32 to vector<16xi32>
      %min3A_629 = arith.minsi %add3A_627, %min3A_628 : vector<16xi32>
      %broadcast_in_dim3A = vector.shape_cast %min3A_629 : vector<16xi32> to vector<16x1xi32>
      %gather3A_630 = vector.shape_cast %broadcast_in_dim3A : vector<16x1xi32> to vector<16xi32>
      %gather3A_631 = tpu.dynamic_gather %shift_right_arithmetic3A_624[%gather3A_630] in [0] : vector<16xi32>, vector<16xi32> -> vector<16xi32>
      %eq3A = arith.cmpi eq, %shift_right_arithmetic3A_624, %gather3A_631 : vector<16xi32>
      %ne3A = arith.constant 15 : i32
      %ne3A_632 = vector.broadcast %ne3A : i32 to vector<16xi32>
      %ne3A_633 = arith.cmpi ne, %iota3A, %ne3A_632 : vector<16xi32>
      %and3A_634 = arith.andi %eq3A, %ne3A_633 : vector<16xi1>
      %swap3A_635 = arith.index_cast %mul3A_609 : i32 to index
      %swap3A_636 = tpu.vector_load %arg8[%swap3A_635] {strides = array<i32>} : memref<1024xi32, #tpu.memory_space<vmem>>, vector<16xi32>,
      tpu.vector_store %arg8[%swap3A_635], %get3A_611 {strides = array<i32>} : memref<1024xi32, #tpu.memory_space<vmem>>, vector<16xi32>,
      %and3A_637 = arith.constant 15 : i32
      %and3A_638 = vector.broadcast %and3A_637 : i32 to vector<16xi32>
      %and3A_639 = arith.andi %masked_sort3A_622, %and3A_638 : vector<16xi32>
      %add3A_640 = vector.broadcast %mul3A_609 : i32 to vector<16xi32>
      %add3A_641 = arith.addi %add3A_640, %and3A_639 : vector<16xi32>
      tpu.vector_store_idx %arg8[%add3A_641], %add3A_10 masked %and3A_634 : memref<1024xi32, #tpu.memory_space<vmem>>[vector<16xi32>], vector<16xi32>, vector<16xi1>
    }
    %scan3A_14 = arith.constant 64 : i32
    %mul3A_15 = arith.constant 1024 : i32
    %mul3A_16 = arith.muli %arg1, %mul3A_15 : i32
    "tpu.region"() ({
      %run_scoped3A_607 = tpu.sem_alloc : memref<!tpu.dma_semaphore, #tpu.memory_space<semaphore_mem>>
      %dma_start3A_608 = tpu.memref_slice %arg6[%arg0, %mul3A_16] : memref<2x16384xi32, #tpu.memory_space<hbm>> -> memref<1x1024xi32, #tpu.memory_space<hbm>>
      %dma_start3A_609 = tpu.memref_squeeze %dma_start3A_608 : memref<1x1024xi32, #tpu.memory_space<hbm>> -> memref<1024xi32, #tpu.memory_space<hbm>>
      %dma_start3A_610 = tpu.memref_slice %arg6[%arg0, %mul3A_16] : memref<2x16384xi32, #tpu.memory_space<hbm>> -> memref<1x1024xi32, #tpu.memory_space<hbm>>
      %dma_start3A_611 = tpu.memref_squeeze %dma_start3A_610 : memref<1x1024xi32, #tpu.memory_space<hbm>> -> memref<1024xi32, #tpu.memory_space<hbm>>
      tpu.enqueue_dma source(%arg8 : memref<1024xi32, #tpu.memory_space<vmem>>) target(%dma_start3A_611 : memref<1024xi32, #tpu.memory_space<hbm>>) target_semaphore(%run_scoped3A_607 : memref<!tpu.dma_semaphore, #tpu.memory_space<semaphore_mem>>)
      %dma_wait3A_612 = tpu.memref_slice %arg6[%arg0, %mul3A_16] : memref<2x16384xi32, #tpu.memory_space<hbm>> -> memref<1x1024xi32, #tpu.memory_space<hbm>>
      %dma_wait3A_613 = tpu.memref_squeeze %dma_wait3A_612 : memref<1x1024xi32, #tpu.memory_space<hbm>> -> memref<1024xi32, #tpu.memory_space<hbm>>
      %dma_wait3A_614 = tpu.memref_slice %arg6[%arg0, %mul3A_16] : memref<2x16384xi32, #tpu.memory_space<hbm>> -> memref<1x1024xi32, #tpu.memory_space<hbm>>
      %dma_wait3A_615 = tpu.memref_squeeze %dma_wait3A_614 : memref<1x1024xi32, #tpu.memory_space<hbm>> -> memref<1024xi32, #tpu.memory_space<hbm>>
      tpu.wait_dma2 semaphore(%run_scoped3A_607 : memref<!tpu.dma_semaphore, #tpu.memory_space<semaphore_mem>>) src(%arg8 : memref<1024xi32, #tpu.memory_space<vmem>>) dst(%dma_wait3A_615 : memref<1024xi32, #tpu.memory_space<hbm>>)
      tpu.yield
    }) : () -> ()
    %barrier3A = arith.constant 0 : index
    tpu.barrier barrier_id(%barrier3A)
    "tpu.region"() ({
      %run_scoped3A_607 = tpu.sem_alloc : memref<!tpu.dma_semaphore, #tpu.memory_space<semaphore_mem>>
      %dma_start3A_608 = arith.constant 0 : i32
      %dma_start3A_609 = tpu.memref_slice %arg6[%arg0, %dma_start3A_608] : memref<2x16384xi32, #tpu.memory_space<hbm>> -> memref<1x16384xi32, #tpu.memory_space<hbm>>
      %dma_start3A_610 = tpu.memref_squeeze %dma_start3A_609 : memref<1x16384xi32, #tpu.memory_space<hbm>> -> memref<16384xi32, #tpu.memory_space<hbm>>
      %dma_start3A_611 = arith.constant 0 : i32
      %dma_start3A_612 = tpu.memref_slice %arg6[%arg0, %dma_start3A_611] : memref<2x16384xi32, #tpu.memory_space<hbm>> -> memref<1x16384xi32, #tpu.memory_space<hbm>>
      %dma_start3A_613 = tpu.memref_squeeze %dma_start3A_612 : memref<1x16384xi32, #tpu.memory_space<hbm>> -> memref<16384xi32, #tpu.memory_space<hbm>>
      tpu.enqueue_dma source(%dma_start3A_613 : memref<16384xi32, #tpu.memory_space<hbm>>) target(%arg11 : memref<16384xi32, #tpu.memory_space<vmem>>) target_semaphore(%run_scoped3A_607 : memref<!tpu.dma_semaphore, #tpu.memory_space<semaphore_mem>>)
      %dma_wait3A_614 = arith.constant 0 : i32
      %dma_wait3A_615 = tpu.memref_slice %arg6[%arg0, %dma_wait3A_614] : memref<2x16384xi32, #tpu.memory_space<hbm>> -> memref<1x16384xi32, #tpu.memory_space<hbm>>
      %dma_wait3A_616 = tpu.memref_squeeze %dma_wait3A_615 : memref<1x16384xi32, #tpu.memory_space<hbm>> -> memref<16384xi32, #tpu.memory_space<hbm>>
      %dma_wait3A_617 = arith.constant 0 : i32
      %dma_wait3A_618 = tpu.memref_slice %arg6[%arg0, %dma_wait3A_617] : memref<2x16384xi32, #tpu.memory_space<hbm>> -> memref<1x16384xi32, #tpu.memory_space<hbm>>
      %dma_wait3A_619 = tpu.memref_squeeze %dma_wait3A_618 : memref<1x16384xi32, #tpu.memory_space<hbm>> -> memref<16384xi32, #tpu.memory_space<hbm>>
      tpu.wait_dma2 semaphore(%run_scoped3A_607 : memref<!tpu.dma_semaphore, #tpu.memory_space<semaphore_mem>>) src(%dma_wait3A_619 : memref<16384xi32, #tpu.memory_space<hbm>>) dst(%arg11 : memref<16384xi32, #tpu.memory_space<vmem>>)
      tpu.yield
    }) : () -> ()
    %scan3A_17 = arith.constant 0 : i32
    %scan3A_18 = arith.constant 128 : i32
    %scan3A_19 = arith.addi %scan3A_17, %scan3A_18 : i32
    %scan3A_20 = arith.constant 1 : i32
    scf.for %scan3A_607 = %scan3A_17 to %scan3A_19 step %scan3A_20  : i32 {
      %mul3A_608 = arith.constant 8 : i32
      %mul3A_609 = arith.muli %scan3A_607, %mul3A_608 : i32
      %add3A_610 = arith.constant 0 : i32
      %add3A_611 = arith.addi %mul3A_609, %add3A_610 : i32
      %mul3A_612 = arith.constant 16 : i32
      %mul3A_613 = arith.muli %add3A_611, %mul3A_612 : i32
      %get3A_614 = arith.index_cast %mul3A_613 : i32 to index
      %get3A_615 = tpu.vector_load %arg11[%get3A_614] {strides = array<i32>} : memref<16384xi32, #tpu.memory_space<vmem>>, vector<16xi32>,
      %shift_right_arithmetic3A = arith.constant 16 : i32
      %shift_right_arithmetic3A_616 = vector.broadcast %shift_right_arithmetic3A : i32 to vector<16xi32>
      %shift_right_arithmetic3A_617 = arith.shrsi %get3A_615, %shift_right_arithmetic3A_616 : vector<16xi32>
      %eq3A = vector.broadcast %arg1 : i32 to vector<16xi32>
      %eq3A_618 = arith.cmpi eq, %shift_right_arithmetic3A_617, %eq3A : vector<16xi32>
      %and3A_619 = arith.constant 65535 : i32
      %and3A_620 = vector.broadcast %and3A_619 : i32 to vector<16xi32>
      %and3A_621 = arith.andi %get3A_615, %and3A_620 : vector<16xi32>
      %mul3A_622 = arith.constant 16 : i32
      %mul3A_623 = arith.muli %add3A_611, %mul3A_622 : i32
      %add3A_624 = vector.broadcast %mul3A_623 : i32 to vector<16xi32>
      %add3A_625 = arith.addi %add3A_624, %iota3A : vector<16xi32>
      %shift_right_arithmetic3A_626 = arith.constant 4 : i32
      %shift_right_arithmetic3A_627 = vector.broadcast %shift_right_arithmetic3A_626 : i32 to vector<16xi32>
      %shift_right_arithmetic3A_628 = arith.shrsi %and3A_621, %shift_right_arithmetic3A_627 : vector<16xi32>
      %and3A_629 = arith.constant 15 : i32
      %and3A_630 = vector.broadcast %and3A_629 : i32 to vector<16xi32>
      %and3A_631 = arith.andi %and3A_621, %and3A_630 : vector<16xi32>
      tpu.vector_store_idx %arg10[%shift_right_arithmetic3A_628, %and3A_631], %add3A_625 masked %eq3A_618 : memref<4096x16xi32, #tpu.memory_space<vmem>>[vector<16xi32>, vector<16xi32>], vector<16xi32>, vector<16xi1>
      %mul3A_632 = arith.constant 8 : i32
      %mul3A_633 = arith.muli %scan3A_607, %mul3A_632 : i32
      %add3A_634 = arith.constant 1 : i32
      %add3A_635 = arith.addi %mul3A_633, %add3A_634 : i32
      %mul3A_636 = arith.constant 16 : i32
      %mul3A_637 = arith.muli %add3A_635, %mul3A_636 : i32
      %get3A_638 = arith.index_cast %mul3A_637 : i32 to index
      %get3A_639 = tpu.vector_load %arg11[%get3A_638] {strides = array<i32>} : memref<16384xi32, #tpu.memory_space<vmem>>, vector<16xi32>,
      %shift_right_arithmetic3A_640 = arith.constant 16 : i32
      %shift_right_arithmetic3A_641 = vector.broadcast %shift_right_arithmetic3A_640 : i32 to vector<16xi32>
      %shift_right_arithmetic3A_642 = arith.shrsi %get3A_639, %shift_right_arithmetic3A_641 : vector<16xi32>
      %eq3A_643 = vector.broadcast %arg1 : i32 to vector<16xi32>
      %eq3A_644 = arith.cmpi eq, %shift_right_arithmetic3A_642, %eq3A_643 : vector<16xi32>
      %and3A_645 = arith.constant 65535 : i32
      %and3A_646 = vector.broadcast %and3A_645 : i32 to vector<16xi32>
      %and3A_647 = arith.andi %get3A_639, %and3A_646 : vector<16xi32>
      %mul3A_648 = arith.constant 16 : i32
      %mul3A_649 = arith.muli %add3A_635, %mul3A_648 : i32
      %add3A_650 = vector.broadcast %mul3A_649 : i32 to vector<16xi32>
      %add3A_651 = arith.addi %add3A_650, %iota3A : vector<16xi32>
      %shift_right_arithmetic3A_652 = arith.constant 4 : i32
      %shift_right_arithmetic3A_653 = vector.broadcast %shift_right_arithmetic3A_652 : i32 to vector<16xi32>
      %shift_right_arithmetic3A_654 = arith.shrsi %and3A_647, %shift_right_arithmetic3A_653 : vector<16xi32>
      %and3A_655 = arith.constant 15 : i32
      %and3A_656 = vector.broadcast %and3A_655 : i32 to vector<16xi32>
      %and3A_657 = arith.andi %and3A_647, %and3A_656 : vector<16xi32>
      tpu.vector_store_idx %arg10[%shift_right_arithmetic3A_654, %and3A_657], %add3A_651 masked %eq3A_644 : memref<4096x16xi32, #tpu.memory_space<vmem>>[vector<16xi32>, vector<16xi32>], vector<16xi32>, vector<16xi1>
      %mul3A_658 = arith.constant 8 : i32
      %mul3A_659 = arith.muli %scan3A_607, %mul3A_658 : i32
      %add3A_660 = arith.constant 2 : i32
      %add3A_661 = arith.addi %mul3A_659, %add3A_660 : i32
      %mul3A_662 = arith.constant 16 : i32
      %mul3A_663 = arith.muli %add3A_661, %mul3A_662 : i32
      %get3A_664 = arith.index_cast %mul3A_663 : i32 to index
      %get3A_665 = tpu.vector_load %arg11[%get3A_664] {strides = array<i32>} : memref<16384xi32, #tpu.memory_space<vmem>>, vector<16xi32>,
      %shift_right_arithmetic3A_666 = arith.constant 16 : i32
      %shift_right_arithmetic3A_667 = vector.broadcast %shift_right_arithmetic3A_666 : i32 to vector<16xi32>
      %shift_right_arithmetic3A_668 = arith.shrsi %get3A_665, %shift_right_arithmetic3A_667 : vector<16xi32>
      %eq3A_669 = vector.broadcast %arg1 : i32 to vector<16xi32>
      %eq3A_670 = arith.cmpi eq, %shift_right_arithmetic3A_668, %eq3A_669 : vector<16xi32>
      %and3A_671 = arith.constant 65535 : i32
      %and3A_672 = vector.broadcast %and3A_671 : i32 to vector<16xi32>
      %and3A_673 = arith.andi %get3A_665, %and3A_672 : vector<16xi32>
      %mul3A_674 = arith.constant 16 : i32
      %mul3A_675 = arith.muli %add3A_661, %mul3A_674 : i32
      %add3A_676 = vector.broadcast %mul3A_675 : i32 to vector<16xi32>
      %add3A_677 = arith.addi %add3A_676, %iota3A : vector<16xi32>
      %shift_right_arithmetic3A_678 = arith.constant 4 : i32
      %shift_right_arithmetic3A_679 = vector.broadcast %shift_right_arithmetic3A_678 : i32 to vector<16xi32>
      %shift_right_arithmetic3A_680 = arith.shrsi %and3A_673, %shift_right_arithmetic3A_679 : vector<16xi32>
      %and3A_681 = arith.constant 15 : i32
      %and3A_682 = vector.broadcast %and3A_681 : i32 to vector<16xi32>
      %and3A_683 = arith.andi %and3A_673, %and3A_682 : vector<16xi32>
      tpu.vector_store_idx %arg10[%shift_right_arithmetic3A_680, %and3A_683], %add3A_677 masked %eq3A_670 : memref<4096x16xi32, #tpu.memory_space<vmem>>[vector<16xi32>, vector<16xi32>], vector<16xi32>, vector<16xi1>
      %mul3A_684 = arith.constant 8 : i32
      %mul3A_685 = arith.muli %scan3A_607, %mul3A_684 : i32
      %add3A_686 = arith.constant 3 : i32
      %add3A_687 = arith.addi %mul3A_685, %add3A_686 : i32
      %mul3A_688 = arith.constant 16 : i32
      %mul3A_689 = arith.muli %add3A_687, %mul3A_688 : i32
      %get3A_690 = arith.index_cast %mul3A_689 : i32 to index
      %get3A_691 = tpu.vector_load %arg11[%get3A_690] {strides = array<i32>} : memref<16384xi32, #tpu.memory_space<vmem>>, vector<16xi32>,
      %shift_right_arithmetic3A_692 = arith.constant 16 : i32
      %shift_right_arithmetic3A_693 = vector.broadcast %shift_right_arithmetic3A_692 : i32 to vector<16xi32>
      %shift_right_arithmetic3A_694 = arith.shrsi %get3A_691, %shift_right_arithmetic3A_693 : vector<16xi32>
      %eq3A_695 = vector.broadcast %arg1 : i32 to vector<16xi32>
      %eq3A_696 = arith.cmpi eq, %shift_right_arithmetic3A_694, %eq3A_695 : vector<16xi32>
      %and3A_697 = arith.constant 65535 : i32
      %and3A_698 = vector.broadcast %and3A_697 : i32 to vector<16xi32>
      %and3A_699 = arith.andi %get3A_691, %and3A_698 : vector<16xi32>
      %mul3A_700 = arith.constant 16 : i32
      %mul3A_701 = arith.muli %add3A_687, %mul3A_700 : i32
      %add3A_702 = vector.broadcast %mul3A_701 : i32 to vector<16xi32>
      %add3A_703 = arith.addi %add3A_702, %iota3A : vector<16xi32>
      %shift_right_arithmetic3A_704 = arith.constant 4 : i32
      %shift_right_arithmetic3A_705 = vector.broadcast %shift_right_arithmetic3A_704 : i32 to vector<16xi32>
      %shift_right_arithmetic3A_706 = arith.shrsi %and3A_699, %shift_right_arithmetic3A_705 : vector<16xi32>
      %and3A_707 = arith.constant 15 : i32
      %and3A_708 = vector.broadcast %and3A_707 : i32 to vector<16xi32>
      %and3A_709 = arith.andi %and3A_699, %and3A_708 : vector<16xi32>
      tpu.vector_store_idx %arg10[%shift_right_arithmetic3A_706, %and3A_709], %add3A_703 masked %eq3A_696 : memref<4096x16xi32, #tpu.memory_space<vmem>>[vector<16xi32>, vector<16xi32>], vector<16xi32>, vector<16xi1>
      %mul3A_710 = arith.constant 8 : i32
      %mul3A_711 = arith.muli %scan3A_607, %mul3A_710 : i32
      %add3A_712 = arith.constant 4 : i32
      %add3A_713 = arith.addi %mul3A_711, %add3A_712 : i32
      %mul3A_714 = arith.constant 16 : i32
      %mul3A_715 = arith.muli %add3A_713, %mul3A_714 : i32
      %get3A_716 = arith.index_cast %mul3A_715 : i32 to index
      %get3A_717 = tpu.vector_load %arg11[%get3A_716] {strides = array<i32>} : memref<16384xi32, #tpu.memory_space<vmem>>, vector<16xi32>,
      %shift_right_arithmetic3A_718 = arith.constant 16 : i32
      %shift_right_arithmetic3A_719 = vector.broadcast %shift_right_arithmetic3A_718 : i32 to vector<16xi32>
      %shift_right_arithmetic3A_720 = arith.shrsi %get3A_717, %shift_right_arithmetic3A_719 : vector<16xi32>
      %eq3A_721 = vector.broadcast %arg1 : i32 to vector<16xi32>
      %eq3A_722 = arith.cmpi eq, %shift_right_arithmetic3A_720, %eq3A_721 : vector<16xi32>
      %and3A_723 = arith.constant 65535 : i32
      %and3A_724 = vector.broadcast %and3A_723 : i32 to vector<16xi32>
      %and3A_725 = arith.andi %get3A_717, %and3A_724 : vector<16xi32>
      %mul3A_726 = arith.constant 16 : i32
      %mul3A_727 = arith.muli %add3A_713, %mul3A_726 : i32
      %add3A_728 = vector.broadcast %mul3A_727 : i32 to vector<16xi32>
      %add3A_729 = arith.addi %add3A_728, %iota3A : vector<16xi32>
      %shift_right_arithmetic3A_730 = arith.constant 4 : i32
      %shift_right_arithmetic3A_731 = vector.broadcast %shift_right_arithmetic3A_730 : i32 to vector<16xi32>
      %shift_right_arithmetic3A_732 = arith.shrsi %and3A_725, %shift_right_arithmetic3A_731 : vector<16xi32>
      %and3A_733 = arith.constant 15 : i32
      %and3A_734 = vector.broadcast %and3A_733 : i32 to vector<16xi32>
      %and3A_735 = arith.andi %and3A_725, %and3A_734 : vector<16xi32>
      tpu.vector_store_idx %arg10[%shift_right_arithmetic3A_732, %and3A_735], %add3A_729 masked %eq3A_722 : memref<4096x16xi32, #tpu.memory_space<vmem>>[vector<16xi32>, vector<16xi32>], vector<16xi32>, vector<16xi1>
      %mul3A_736 = arith.constant 8 : i32
      %mul3A_737 = arith.muli %scan3A_607, %mul3A_736 : i32
      %add3A_738 = arith.constant 5 : i32
      %add3A_739 = arith.addi %mul3A_737, %add3A_738 : i32
      %mul3A_740 = arith.constant 16 : i32
      %mul3A_741 = arith.muli %add3A_739, %mul3A_740 : i32
      %get3A_742 = arith.index_cast %mul3A_741 : i32 to index
      %get3A_743 = tpu.vector_load %arg11[%get3A_742] {strides = array<i32>} : memref<16384xi32, #tpu.memory_space<vmem>>, vector<16xi32>,
      %shift_right_arithmetic3A_744 = arith.constant 16 : i32
      %shift_right_arithmetic3A_745 = vector.broadcast %shift_right_arithmetic3A_744 : i32 to vector<16xi32>
      %shift_right_arithmetic3A_746 = arith.shrsi %get3A_743, %shift_right_arithmetic3A_745 : vector<16xi32>
      %eq3A_747 = vector.broadcast %arg1 : i32 to vector<16xi32>
      %eq3A_748 = arith.cmpi eq, %shift_right_arithmetic3A_746, %eq3A_747 : vector<16xi32>
      %and3A_749 = arith.constant 65535 : i32
      %and3A_750 = vector.broadcast %and3A_749 : i32 to vector<16xi32>
      %and3A_751 = arith.andi %get3A_743, %and3A_750 : vector<16xi32>
      %mul3A_752 = arith.constant 16 : i32
      %mul3A_753 = arith.muli %add3A_739, %mul3A_752 : i32
      %add3A_754 = vector.broadcast %mul3A_753 : i32 to vector<16xi32>
      %add3A_755 = arith.addi %add3A_754, %iota3A : vector<16xi32>
      %shift_right_arithmetic3A_756 = arith.constant 4 : i32
      %shift_right_arithmetic3A_757 = vector.broadcast %shift_right_arithmetic3A_756 : i32 to vector<16xi32>
      %shift_right_arithmetic3A_758 = arith.shrsi %and3A_751, %shift_right_arithmetic3A_757 : vector<16xi32>
      %and3A_759 = arith.constant 15 : i32
      %and3A_760 = vector.broadcast %and3A_759 : i32 to vector<16xi32>
      %and3A_761 = arith.andi %and3A_751, %and3A_760 : vector<16xi32>
      tpu.vector_store_idx %arg10[%shift_right_arithmetic3A_758, %and3A_761], %add3A_755 masked %eq3A_748 : memref<4096x16xi32, #tpu.memory_space<vmem>>[vector<16xi32>, vector<16xi32>], vector<16xi32>, vector<16xi1>
      %mul3A_762 = arith.constant 8 : i32
      %mul3A_763 = arith.muli %scan3A_607, %mul3A_762 : i32
      %add3A_764 = arith.constant 6 : i32
      %add3A_765 = arith.addi %mul3A_763, %add3A_764 : i32
      %mul3A_766 = arith.constant 16 : i32
      %mul3A_767 = arith.muli %add3A_765, %mul3A_766 : i32
      %get3A_768 = arith.index_cast %mul3A_767 : i32 to index
      %get3A_769 = tpu.vector_load %arg11[%get3A_768] {strides = array<i32>} : memref<16384xi32, #tpu.memory_space<vmem>>, vector<16xi32>,
      %shift_right_arithmetic3A_770 = arith.constant 16 : i32
      %shift_right_arithmetic3A_771 = vector.broadcast %shift_right_arithmetic3A_770 : i32 to vector<16xi32>
      %shift_right_arithmetic3A_772 = arith.shrsi %get3A_769, %shift_right_arithmetic3A_771 : vector<16xi32>
      %eq3A_773 = vector.broadcast %arg1 : i32 to vector<16xi32>
      %eq3A_774 = arith.cmpi eq, %shift_right_arithmetic3A_772, %eq3A_773 : vector<16xi32>
      %and3A_775 = arith.constant 65535 : i32
      %and3A_776 = vector.broadcast %and3A_775 : i32 to vector<16xi32>
      %and3A_777 = arith.andi %get3A_769, %and3A_776 : vector<16xi32>
      %mul3A_778 = arith.constant 16 : i32
      %mul3A_779 = arith.muli %add3A_765, %mul3A_778 : i32
      %add3A_780 = vector.broadcast %mul3A_779 : i32 to vector<16xi32>
      %add3A_781 = arith.addi %add3A_780, %iota3A : vector<16xi32>
      %shift_right_arithmetic3A_782 = arith.constant 4 : i32
      %shift_right_arithmetic3A_783 = vector.broadcast %shift_right_arithmetic3A_782 : i32 to vector<16xi32>
      %shift_right_arithmetic3A_784 = arith.shrsi %and3A_777, %shift_right_arithmetic3A_783 : vector<16xi32>
      %and3A_785 = arith.constant 15 : i32
      %and3A_786 = vector.broadcast %and3A_785 : i32 to vector<16xi32>
      %and3A_787 = arith.andi %and3A_777, %and3A_786 : vector<16xi32>
      tpu.vector_store_idx %arg10[%shift_right_arithmetic3A_784, %and3A_787], %add3A_781 masked %eq3A_774 : memref<4096x16xi32, #tpu.memory_space<vmem>>[vector<16xi32>, vector<16xi32>], vector<16xi32>, vector<16xi1>
      %mul3A_788 = arith.constant 8 : i32
      %mul3A_789 = arith.muli %scan3A_607, %mul3A_788 : i32
      %add3A_790 = arith.constant 7 : i32
      %add3A_791 = arith.addi %mul3A_789, %add3A_790 : i32
      %mul3A_792 = arith.constant 16 : i32
      %mul3A_793 = arith.muli %add3A_791, %mul3A_792 : i32
      %get3A_794 = arith.index_cast %mul3A_793 : i32 to index
      %get3A_795 = tpu.vector_load %arg11[%get3A_794] {strides = array<i32>} : memref<16384xi32, #tpu.memory_space<vmem>>, vector<16xi32>,
      %shift_right_arithmetic3A_796 = arith.constant 16 : i32
      %shift_right_arithmetic3A_797 = vector.broadcast %shift_right_arithmetic3A_796 : i32 to vector<16xi32>
      %shift_right_arithmetic3A_798 = arith.shrsi %get3A_795, %shift_right_arithmetic3A_797 : vector<16xi32>
      %eq3A_799 = vector.broadcast %arg1 : i32 to vector<16xi32>
      %eq3A_800 = arith.cmpi eq, %shift_right_arithmetic3A_798, %eq3A_799 : vector<16xi32>
      %and3A_801 = arith.constant 65535 : i32
      %and3A_802 = vector.broadcast %and3A_801 : i32 to vector<16xi32>
      %and3A_803 = arith.andi %get3A_795, %and3A_802 : vector<16xi32>
      %mul3A_804 = arith.constant 16 : i32
      %mul3A_805 = arith.muli %add3A_791, %mul3A_804 : i32
      %add3A_806 = vector.broadcast %mul3A_805 : i32 to vector<16xi32>
      %add3A_807 = arith.addi %add3A_806, %iota3A : vector<16xi32>
      %shift_right_arithmetic3A_808 = arith.constant 4 : i32
      %shift_right_arithmetic3A_809 = vector.broadcast %shift_right_arithmetic3A_808 : i32 to vector<16xi32>
      %shift_right_arithmetic3A_810 = arith.shrsi %and3A_803, %shift_right_arithmetic3A_809 : vector<16xi32>
      %and3A_811 = arith.constant 15 : i32
      %and3A_812 = vector.broadcast %and3A_811 : i32 to vector<16xi32>
      %and3A_813 = arith.andi %and3A_803, %and3A_812 : vector<16xi32>
      tpu.vector_store_idx %arg10[%shift_right_arithmetic3A_810, %and3A_813], %add3A_807 masked %eq3A_800 : memref<4096x16xi32, #tpu.memory_space<vmem>>[vector<16xi32>, vector<16xi32>], vector<16xi32>, vector<16xi1>
    }
    %scan3A_21 = arith.constant 128 : i32
    %mul3A_22 = arith.constant 4096 : i32
    %mul3A_23 = arith.muli %arg1, %mul3A_22 : i32
    "tpu.region"() ({
      %run_scoped3A_607 = tpu.sem_alloc : memref<!tpu.dma_semaphore, #tpu.memory_space<semaphore_mem>>
      %dma_start3A_608 = arith.constant 0 : i32
      %dma_start3A_609 = tpu.memref_slice %arg5[%arg0, %mul3A_23, %dma_start3A_608] : memref<2x65536x16xi32, #tpu.memory_space<hbm>> -> memref<1x4096x16xi32, #tpu.memory_space<hbm>>
      %dma_start3A_610 = tpu.memref_squeeze %dma_start3A_609 : memref<1x4096x16xi32, #tpu.memory_space<hbm>> -> memref<4096x16xi32, #tpu.memory_space<hbm>>
      %dma_start3A_611 = arith.constant 0 : i32
      %dma_start3A_612 = tpu.memref_slice %arg5[%arg0, %mul3A_23, %dma_start3A_611] : memref<2x65536x16xi32, #tpu.memory_space<hbm>> -> memref<1x4096x16xi32, #tpu.memory_space<hbm>>
      %dma_start3A_613 = tpu.memref_squeeze %dma_start3A_612 : memref<1x4096x16xi32, #tpu.memory_space<hbm>> -> memref<4096x16xi32, #tpu.memory_space<hbm>>
      tpu.enqueue_dma source(%arg10 : memref<4096x16xi32, #tpu.memory_space<vmem>>) target(%dma_start3A_613 : memref<4096x16xi32, #tpu.memory_space<hbm>>) target_semaphore(%run_scoped3A_607 : memref<!tpu.dma_semaphore, #tpu.memory_space<semaphore_mem>>)
      %dma_wait3A_614 = arith.constant 0 : i32
      %dma_wait3A_615 = tpu.memref_slice %arg5[%arg0, %mul3A_23, %dma_wait3A_614] : memref<2x65536x16xi32, #tpu.memory_space<hbm>> -> memref<1x4096x16xi32, #tpu.memory_space<hbm>>
      %dma_wait3A_616 = tpu.memref_squeeze %dma_wait3A_615 : memref<1x4096x16xi32, #tpu.memory_space<hbm>> -> memref<4096x16xi32, #tpu.memory_space<hbm>>
      %dma_wait3A_617 = arith.constant 0 : i32
      %dma_wait3A_618 = tpu.memref_slice %arg5[%arg0, %mul3A_23, %dma_wait3A_617] : memref<2x65536x16xi32, #tpu.memory_space<hbm>> -> memref<1x4096x16xi32, #tpu.memory_space<hbm>>
      %dma_wait3A_619 = tpu.memref_squeeze %dma_wait3A_618 : memref<1x4096x16xi32, #tpu.memory_space<hbm>> -> memref<4096x16xi32, #tpu.memory_space<hbm>>
      tpu.wait_dma2 semaphore(%run_scoped3A_607 : memref<!tpu.dma_semaphore, #tpu.memory_space<semaphore_mem>>) src(%arg10 : memref<4096x16xi32, #tpu.memory_space<vmem>>) dst(%dma_wait3A_619 : memref<4096x16xi32, #tpu.memory_space<hbm>>)
      tpu.yield
    }) : () -> ()
    %scan3A_24 = arith.constant 0 : i32
    %scan3A_25 = arith.constant 32 : i32
    %scan3A_26 = arith.addi %scan3A_24, %scan3A_25 : i32
    %scan3A_27 = arith.constant 1 : i32
    scf.for %scan3A_607 = %scan3A_24 to %scan3A_26 step %scan3A_27  : i32 {
      %mul3A_608 = arith.constant 16 : i32
      %mul3A_609 = arith.muli %scan3A_607, %mul3A_608 : i32
      %get3A_610 = arith.index_cast %mul3A_609 : i32 to index
      %get3A_611 = tpu.vector_load %arg9[%get3A_610] {strides = array<i32>} : memref<512xi32, #tpu.memory_space<vmem>>, vector<16xi32>,
      %shift_right_arithmetic3A = arith.constant 4 : i32
      %shift_right_arithmetic3A_612 = vector.broadcast %shift_right_arithmetic3A : i32 to vector<16xi32>
      %shift_right_arithmetic3A_613 = arith.shrsi %get3A_611, %shift_right_arithmetic3A_612 : vector<16xi32>
      %mul3A_614 = arith.constant 16 : i32
      %mul3A_615 = arith.muli %scan3A_607, %mul3A_614 : i32
      %swap3A_616 = arith.index_cast %mul3A_615 : i32 to index
      %swap3A_617 = tpu.vector_load %arg12[%swap3A_616] {strides = array<i32>} : memref<512xi32, #tpu.memory_space<vmem>>, vector<16xi32>,
      tpu.vector_store %arg12[%swap3A_616], %shift_right_arithmetic3A_613 {strides = array<i32>} : memref<512xi32, #tpu.memory_space<vmem>>, vector<16xi32>,
    }
    %scan3A_28 = arith.constant 32 : i32
    %barrier3A_29 = arith.constant 0 : index
    tpu.barrier barrier_id(%barrier3A_29)
    %dma_start3A = arith.constant 0 : i32
    %dma_start3A_30 = arith.constant 0 : i32
    %dma_start3A_31 = tpu.memref_slice %arg10[%dma_start3A, %dma_start3A_30] : memref<4096x16xi32, #tpu.memory_space<vmem>> -> memref<256x16xi32, #tpu.memory_space<vmem>>
    %dma_start3A_32 = arith.constant 0 : i32
    %dma_start3A_33 = tpu.memref_slice %arg12[%dma_start3A_32] : memref<512xi32, #tpu.memory_space<vmem>> -> memref<256xi32, #tpu.memory_space<vmem>>
    %dma_start3A_34 = arith.constant 0 : i32
    %dma_start3A_35 = arith.constant 0 : i32
    %dma_start3A_36 = tpu.memref_slice %arg5[%arg0, %dma_start3A_34, %dma_start3A_35] : memref<2x65536x16xi32, #tpu.memory_space<hbm>> -> memref<1x65536x16xi32, #tpu.memory_space<hbm>>
    %dma_start3A_37 = tpu.memref_squeeze %dma_start3A_36 : memref<1x65536x16xi32, #tpu.memory_space<hbm>> -> memref<65536x16xi32, #tpu.memory_space<hbm>>
    %dma_start3A_38 = arith.constant 0 : i32
    %dma_start3A_39 = arith.constant 0 : i32
    %dma_start3A_40 = tpu.memref_slice %dma_start3A_37[%dma_start3A_38, %dma_start3A_39] : memref<65536x16xi32, #tpu.memory_space<hbm>> -> memref<65536x16xi32, #tpu.memory_space<hbm>>
    tpu.enqueue_indirect_dma source(%dma_start3A_40 : memref<65536x16xi32, #tpu.memory_space<hbm>>) target(%dma_start3A_31 : memref<256x16xi32, #tpu.memory_space<vmem>>) offsets(%dma_start3A_33 : memref<256xi32, #tpu.memory_space<vmem>>) semaphore(%arg15 : memref<!tpu.dma_semaphore, #tpu.memory_space<semaphore_mem>>)
    %dma_start3A_41 = arith.constant 256 : i32
    %dma_start3A_42 = arith.constant 0 : i32
    %dma_start3A_43 = tpu.memref_slice %arg10[%dma_start3A_41, %dma_start3A_42] : memref<4096x16xi32, #tpu.memory_space<vmem>> -> memref<256x16xi32, #tpu.memory_space<vmem>>
    %dma_start3A_44 = arith.constant 256 : i32
    %dma_start3A_45 = tpu.memref_slice %arg12[%dma_start3A_44] : memref<512xi32, #tpu.memory_space<vmem>> -> memref<256xi32, #tpu.memory_space<vmem>>
    %dma_start3A_46 = arith.constant 0 : i32
    %dma_start3A_47 = arith.constant 0 : i32
    %dma_start3A_48 = tpu.memref_slice %arg5[%arg0, %dma_start3A_46, %dma_start3A_47] : memref<2x65536x16xi32, #tpu.memory_space<hbm>> -> memref<1x65536x16xi32, #tpu.memory_space<hbm>>
    %dma_start3A_49 = tpu.memref_squeeze %dma_start3A_48 : memref<1x65536x16xi32, #tpu.memory_space<hbm>> -> memref<65536x16xi32, #tpu.memory_space<hbm>>
    %dma_start3A_50 = arith.constant 0 : i32
    %dma_start3A_51 = arith.constant 0 : i32
    %dma_start3A_52 = tpu.memref_slice %dma_start3A_49[%dma_start3A_50, %dma_start3A_51] : memref<65536x16xi32, #tpu.memory_space<hbm>> -> memref<65536x16xi32, #tpu.memory_space<hbm>>
    tpu.enqueue_indirect_dma source(%dma_start3A_52 : memref<65536x16xi32, #tpu.memory_space<hbm>>) target(%dma_start3A_43 : memref<256x16xi32, #tpu.memory_space<vmem>>) offsets(%dma_start3A_45 : memref<256xi32, #tpu.memory_space<vmem>>) semaphore(%arg16 : memref<!tpu.dma_semaphore, #tpu.memory_space<semaphore_mem>>)
    %dma_wait3A = arith.constant 0 : i32
    %dma_wait3A_53 = arith.constant 0 : i32
    %dma_wait3A_54 = tpu.memref_slice %arg10[%dma_wait3A, %dma_wait3A_53] : memref<4096x16xi32, #tpu.memory_space<vmem>> -> memref<256x16xi32, #tpu.memory_space<vmem>>
    %dma_wait3A_55 = arith.constant 0 : i32
    %dma_wait3A_56 = tpu.memref_slice %arg12[%dma_wait3A_55] : memref<512xi32, #tpu.memory_space<vmem>> -> memref<256xi32, #tpu.memory_space<vmem>>
    %dma_wait3A_57 = arith.constant 0 : i32
    %dma_wait3A_58 = arith.constant 0 : i32
    %dma_wait3A_59 = tpu.memref_slice %arg5[%arg0, %dma_wait3A_57, %dma_wait3A_58] : memref<2x65536x16xi32, #tpu.memory_space<hbm>> -> memref<1x65536x16xi32, #tpu.memory_space<hbm>>
    %dma_wait3A_60 = tpu.memref_squeeze %dma_wait3A_59 : memref<1x65536x16xi32, #tpu.memory_space<hbm>> -> memref<65536x16xi32, #tpu.memory_space<hbm>>
    %dma_wait3A_61 = arith.constant 0 : i32
    %dma_wait3A_62 = arith.constant 0 : i32
    %dma_wait3A_63 = tpu.memref_slice %dma_wait3A_60[%dma_wait3A_61, %dma_wait3A_62] : memref<65536x16xi32, #tpu.memory_space<hbm>> -> memref<65536x16xi32, #tpu.memory_space<hbm>>
    tpu.wait_indirect_dma semaphore(%arg15 : memref<!tpu.dma_semaphore, #tpu.memory_space<semaphore_mem>>) src(%dma_wait3A_63 : memref<65536x16xi32, #tpu.memory_space<hbm>>) dst(%dma_wait3A_54 : memref<256x16xi32, #tpu.memory_space<vmem>>)
    %get3A = arith.constant 0 : index
    %get3A_64 = tpu.vector_load %arg9[%get3A] {strides = array<i32>} : memref<512xi32, #tpu.memory_space<vmem>>, vector<16xi32>,
    %add3A_65 = arith.constant 0 : i32
    %add3A_66 = vector.broadcast %add3A_65 : i32 to vector<16xi32>
    %add3A_67 = arith.addi %add3A_66, %iota3A : vector<16xi32>
    %and3A = arith.constant 15 : i32
    %and3A_68 = vector.broadcast %and3A : i32 to vector<16xi32>
    %and3A_69 = arith.andi %get3A_64, %and3A_68 : vector<16xi32>
    %gather3A = tpu.vector_load_idx %arg10[%add3A_67, %and3A_69] : memref<4096x16xi32, #tpu.memory_space<vmem>>[vector<16xi32>, vector<16xi32>], vector<16xi32>,
    %swap3A = arith.constant 0 : index
    %swap3A_70 = tpu.vector_load %arg13[%swap3A] {strides = array<i32>} : memref<512xi32, #tpu.memory_space<vmem>>, vector<16xi32>,
    tpu.vector_store %arg13[%swap3A], %gather3A {strides = array<i32>} : memref<512xi32, #tpu.memory_space<vmem>>, vector<16xi32>,
    %get3A_71 = arith.constant 16 : index
    %get3A_72 = tpu.vector_load %arg9[%get3A_71] {strides = array<i32>} : memref<512xi32, #tpu.memory_space<vmem>>, vector<16xi32>,
    %add3A_73 = arith.constant 16 : i32
    %add3A_74 = vector.broadcast %add3A_73 : i32 to vector<16xi32>
    %add3A_75 = arith.addi %add3A_74, %iota3A : vector<16xi32>
    %and3A_76 = arith.constant 15 : i32
    %and3A_77 = vector.broadcast %and3A_76 : i32 to vector<16xi32>
    %and3A_78 = arith.andi %get3A_72, %and3A_77 : vector<16xi32>
    %gather3A_79 = tpu.vector_load_idx %arg10[%add3A_75, %and3A_78] : memref<4096x16xi32, #tpu.memory_space<vmem>>[vector<16xi32>, vector<16xi32>], vector<16xi32>,
    %swap3A_80 = arith.constant 16 : index
    %swap3A_81 = tpu.vector_load %arg13[%swap3A_80] {strides = array<i32>} : memref<512xi32, #tpu.memory_space<vmem>>, vector<16xi32>,
    tpu.vector_store %arg13[%swap3A_80], %gather3A_79 {strides = array<i32>} : memref<512xi32, #tpu.memory_space<vmem>>, vector<16xi32>,
    %get3A_82 = arith.constant 32 : index
    %get3A_83 = tpu.vector_load %arg9[%get3A_82] {strides = array<i32>} : memref<512xi32, #tpu.memory_space<vmem>>, vector<16xi32>,
    %add3A_84 = arith.constant 32 : i32
    %add3A_85 = vector.broadcast %add3A_84 : i32 to vector<16xi32>
    %add3A_86 = arith.addi %add3A_85, %iota3A : vector<16xi32>
    %and3A_87 = arith.constant 15 : i32
    %and3A_88 = vector.broadcast %and3A_87 : i32 to vector<16xi32>
    %and3A_89 = arith.andi %get3A_83, %and3A_88 : vector<16xi32>
    %gather3A_90 = tpu.vector_load_idx %arg10[%add3A_86, %and3A_89] : memref<4096x16xi32, #tpu.memory_space<vmem>>[vector<16xi32>, vector<16xi32>], vector<16xi32>,
    %swap3A_91 = arith.constant 32 : index
    %swap3A_92 = tpu.vector_load %arg13[%swap3A_91] {strides = array<i32>} : memref<512xi32, #tpu.memory_space<vmem>>, vector<16xi32>,
    tpu.vector_store %arg13[%swap3A_91], %gather3A_90 {strides = array<i32>} : memref<512xi32, #tpu.memory_space<vmem>>, vector<16xi32>,
    %get3A_93 = arith.constant 48 : index
    %get3A_94 = tpu.vector_load %arg9[%get3A_93] {strides = array<i32>} : memref<512xi32, #tpu.memory_space<vmem>>, vector<16xi32>,
    %add3A_95 = arith.constant 48 : i32
    %add3A_96 = vector.broadcast %add3A_95 : i32 to vector<16xi32>
    %add3A_97 = arith.addi %add3A_96, %iota3A : vector<16xi32>
    %and3A_98 = arith.constant 15 : i32
    %and3A_99 = vector.broadcast %and3A_98 : i32 to vector<16xi32>
    %and3A_100 = arith.andi %get3A_94, %and3A_99 : vector<16xi32>
    %gather3A_101 = tpu.vector_load_idx %arg10[%add3A_97, %and3A_100] : memref<4096x16xi32, #tpu.memory_space<vmem>>[vector<16xi32>, vector<16xi32>], vector<16xi32>,
    %swap3A_102 = arith.constant 48 : index
    %swap3A_103 = tpu.vector_load %arg13[%swap3A_102] {strides = array<i32>} : memref<512xi32, #tpu.memory_space<vmem>>, vector<16xi32>,
    tpu.vector_store %arg13[%swap3A_102], %gather3A_101 {strides = array<i32>} : memref<512xi32, #tpu.memory_space<vmem>>, vector<16xi32>,
    %get3A_104 = arith.constant 64 : index
    %get3A_105 = tpu.vector_load %arg9[%get3A_104] {strides = array<i32>} : memref<512xi32, #tpu.memory_space<vmem>>, vector<16xi32>,
    %add3A_106 = arith.constant 64 : i32
    %add3A_107 = vector.broadcast %add3A_106 : i32 to vector<16xi32>
    %add3A_108 = arith.addi %add3A_107, %iota3A : vector<16xi32>
    %and3A_109 = arith.constant 15 : i32
    %and3A_110 = vector.broadcast %and3A_109 : i32 to vector<16xi32>
    %and3A_111 = arith.andi %get3A_105, %and3A_110 : vector<16xi32>
    %gather3A_112 = tpu.vector_load_idx %arg10[%add3A_108, %and3A_111] : memref<4096x16xi32, #tpu.memory_space<vmem>>[vector<16xi32>, vector<16xi32>], vector<16xi32>,
    %swap3A_113 = arith.constant 64 : index
    %swap3A_114 = tpu.vector_load %arg13[%swap3A_113] {strides = array<i32>} : memref<512xi32, #tpu.memory_space<vmem>>, vector<16xi32>,
    tpu.vector_store %arg13[%swap3A_113], %gather3A_112 {strides = array<i32>} : memref<512xi32, #tpu.memory_space<vmem>>, vector<16xi32>,
    %get3A_115 = arith.constant 80 : index
    %get3A_116 = tpu.vector_load %arg9[%get3A_115] {strides = array<i32>} : memref<512xi32, #tpu.memory_space<vmem>>, vector<16xi32>,
    %add3A_117 = arith.constant 80 : i32
    %add3A_118 = vector.broadcast %add3A_117 : i32 to vector<16xi32>
    %add3A_119 = arith.addi %add3A_118, %iota3A : vector<16xi32>
    %and3A_120 = arith.constant 15 : i32
    %and3A_121 = vector.broadcast %and3A_120 : i32 to vector<16xi32>
    %and3A_122 = arith.andi %get3A_116, %and3A_121 : vector<16xi32>
    %gather3A_123 = tpu.vector_load_idx %arg10[%add3A_119, %and3A_122] : memref<4096x16xi32, #tpu.memory_space<vmem>>[vector<16xi32>, vector<16xi32>], vector<16xi32>,
    %swap3A_124 = arith.constant 80 : index
    %swap3A_125 = tpu.vector_load %arg13[%swap3A_124] {strides = array<i32>} : memref<512xi32, #tpu.memory_space<vmem>>, vector<16xi32>,
    tpu.vector_store %arg13[%swap3A_124], %gather3A_123 {strides = array<i32>} : memref<512xi32, #tpu.memory_space<vmem>>, vector<16xi32>,
    %get3A_126 = arith.constant 96 : index
    %get3A_127 = tpu.vector_load %arg9[%get3A_126] {strides = array<i32>} : memref<512xi32, #tpu.memory_space<vmem>>, vector<16xi32>,
    %add3A_128 = arith.constant 96 : i32
    %add3A_129 = vector.broadcast %add3A_128 : i32 to vector<16xi32>
    %add3A_130 = arith.addi %add3A_129, %iota3A : vector<16xi32>
    %and3A_131 = arith.constant 15 : i32
    %and3A_132 = vector.broadcast %and3A_131 : i32 to vector<16xi32>
    %and3A_133 = arith.andi %get3A_127, %and3A_132 : vector<16xi32>
    %gather3A_134 = tpu.vector_load_idx %arg10[%add3A_130, %and3A_133] : memref<4096x16xi32, #tpu.memory_space<vmem>>[vector<16xi32>, vector<16xi32>], vector<16xi32>,
    %swap3A_135 = arith.constant 96 : index
    %swap3A_136 = tpu.vector_load %arg13[%swap3A_135] {strides = array<i32>} : memref<512xi32, #tpu.memory_space<vmem>>, vector<16xi32>,
    tpu.vector_store %arg13[%swap3A_135], %gather3A_134 {strides = array<i32>} : memref<512xi32, #tpu.memory_space<vmem>>, vector<16xi32>,
    %get3A_137 = arith.constant 112 : index
    %get3A_138 = tpu.vector_load %arg9[%get3A_137] {strides = array<i32>} : memref<512xi32, #tpu.memory_space<vmem>>, vector<16xi32>,
    %add3A_139 = arith.constant 112 : i32
    %add3A_140 = vector.broadcast %add3A_139 : i32 to vector<16xi32>
    %add3A_141 = arith.addi %add3A_140, %iota3A : vector<16xi32>
    %and3A_142 = arith.constant 15 : i32
    %and3A_143 = vector.broadcast %and3A_142 : i32 to vector<16xi32>
    %and3A_144 = arith.andi %get3A_138, %and3A_143 : vector<16xi32>
    %gather3A_145 = tpu.vector_load_idx %arg10[%add3A_141, %and3A_144] : memref<4096x16xi32, #tpu.memory_space<vmem>>[vector<16xi32>, vector<16xi32>], vector<16xi32>,
    %swap3A_146 = arith.constant 112 : index
    %swap3A_147 = tpu.vector_load %arg13[%swap3A_146] {strides = array<i32>} : memref<512xi32, #tpu.memory_space<vmem>>, vector<16xi32>,
    tpu.vector_store %arg13[%swap3A_146], %gather3A_145 {strides = array<i32>} : memref<512xi32, #tpu.memory_space<vmem>>, vector<16xi32>,
    %get3A_148 = arith.constant 128 : index
    %get3A_149 = tpu.vector_load %arg9[%get3A_148] {strides = array<i32>} : memref<512xi32, #tpu.memory_space<vmem>>, vector<16xi32>,
    %add3A_150 = arith.constant 128 : i32
    %add3A_151 = vector.broadcast %add3A_150 : i32 to vector<16xi32>
    %add3A_152 = arith.addi %add3A_151, %iota3A : vector<16xi32>
    %and3A_153 = arith.constant 15 : i32
    %and3A_154 = vector.broadcast %and3A_153 : i32 to vector<16xi32>
    %and3A_155 = arith.andi %get3A_149, %and3A_154 : vector<16xi32>
    %gather3A_156 = tpu.vector_load_idx %arg10[%add3A_152, %and3A_155] : memref<4096x16xi32, #tpu.memory_space<vmem>>[vector<16xi32>, vector<16xi32>], vector<16xi32>,
    %swap3A_157 = arith.constant 128 : index
    %swap3A_158 = tpu.vector_load %arg13[%swap3A_157] {strides = array<i32>} : memref<512xi32, #tpu.memory_space<vmem>>, vector<16xi32>,
    tpu.vector_store %arg13[%swap3A_157], %gather3A_156 {strides = array<i32>} : memref<512xi32, #tpu.memory_space<vmem>>, vector<16xi32>,
    %get3A_159 = arith.constant 144 : index
    %get3A_160 = tpu.vector_load %arg9[%get3A_159] {strides = array<i32>} : memref<512xi32, #tpu.memory_space<vmem>>, vector<16xi32>,
    %add3A_161 = arith.constant 144 : i32
    %add3A_162 = vector.broadcast %add3A_161 : i32 to vector<16xi32>
    %add3A_163 = arith.addi %add3A_162, %iota3A : vector<16xi32>
    %and3A_164 = arith.constant 15 : i32
    %and3A_165 = vector.broadcast %and3A_164 : i32 to vector<16xi32>
    %and3A_166 = arith.andi %get3A_160, %and3A_165 : vector<16xi32>
    %gather3A_167 = tpu.vector_load_idx %arg10[%add3A_163, %and3A_166] : memref<4096x16xi32, #tpu.memory_space<vmem>>[vector<16xi32>, vector<16xi32>], vector<16xi32>,
    %swap3A_168 = arith.constant 144 : index
    %swap3A_169 = tpu.vector_load %arg13[%swap3A_168] {strides = array<i32>} : memref<512xi32, #tpu.memory_space<vmem>>, vector<16xi32>,
    tpu.vector_store %arg13[%swap3A_168], %gather3A_167 {strides = array<i32>} : memref<512xi32, #tpu.memory_space<vmem>>, vector<16xi32>,
    %get3A_170 = arith.constant 160 : index
    %get3A_171 = tpu.vector_load %arg9[%get3A_170] {strides = array<i32>} : memref<512xi32, #tpu.memory_space<vmem>>, vector<16xi32>,
    %add3A_172 = arith.constant 160 : i32
    %add3A_173 = vector.broadcast %add3A_172 : i32 to vector<16xi32>
    %add3A_174 = arith.addi %add3A_173, %iota3A : vector<16xi32>
    %and3A_175 = arith.constant 15 : i32
    %and3A_176 = vector.broadcast %and3A_175 : i32 to vector<16xi32>
    %and3A_177 = arith.andi %get3A_171, %and3A_176 : vector<16xi32>
    %gather3A_178 = tpu.vector_load_idx %arg10[%add3A_174, %and3A_177] : memref<4096x16xi32, #tpu.memory_space<vmem>>[vector<16xi32>, vector<16xi32>], vector<16xi32>,
    %swap3A_179 = arith.constant 160 : index
    %swap3A_180 = tpu.vector_load %arg13[%swap3A_179] {strides = array<i32>} : memref<512xi32, #tpu.memory_space<vmem>>, vector<16xi32>,
    tpu.vector_store %arg13[%swap3A_179], %gather3A_178 {strides = array<i32>} : memref<512xi32, #tpu.memory_space<vmem>>, vector<16xi32>,
    %get3A_181 = arith.constant 176 : index
    %get3A_182 = tpu.vector_load %arg9[%get3A_181] {strides = array<i32>} : memref<512xi32, #tpu.memory_space<vmem>>, vector<16xi32>,
    %add3A_183 = arith.constant 176 : i32
    %add3A_184 = vector.broadcast %add3A_183 : i32 to vector<16xi32>
    %add3A_185 = arith.addi %add3A_184, %iota3A : vector<16xi32>
    %and3A_186 = arith.constant 15 : i32
    %and3A_187 = vector.broadcast %and3A_186 : i32 to vector<16xi32>
    %and3A_188 = arith.andi %get3A_182, %and3A_187 : vector<16xi32>
    %gather3A_189 = tpu.vector_load_idx %arg10[%add3A_185, %and3A_188] : memref<4096x16xi32, #tpu.memory_space<vmem>>[vector<16xi32>, vector<16xi32>], vector<16xi32>,
    %swap3A_190 = arith.constant 176 : index
    %swap3A_191 = tpu.vector_load %arg13[%swap3A_190] {strides = array<i32>} : memref<512xi32, #tpu.memory_space<vmem>>, vector<16xi32>,
    tpu.vector_store %arg13[%swap3A_190], %gather3A_189 {strides = array<i32>} : memref<512xi32, #tpu.memory_space<vmem>>, vector<16xi32>,
    %get3A_192 = arith.constant 192 : index
    %get3A_193 = tpu.vector_load %arg9[%get3A_192] {strides = array<i32>} : memref<512xi32, #tpu.memory_space<vmem>>, vector<16xi32>,
    %add3A_194 = arith.constant 192 : i32
    %add3A_195 = vector.broadcast %add3A_194 : i32 to vector<16xi32>
    %add3A_196 = arith.addi %add3A_195, %iota3A : vector<16xi32>
    %and3A_197 = arith.constant 15 : i32
    %and3A_198 = vector.broadcast %and3A_197 : i32 to vector<16xi32>
    %and3A_199 = arith.andi %get3A_193, %and3A_198 : vector<16xi32>
    %gather3A_200 = tpu.vector_load_idx %arg10[%add3A_196, %and3A_199] : memref<4096x16xi32, #tpu.memory_space<vmem>>[vector<16xi32>, vector<16xi32>], vector<16xi32>,
    %swap3A_201 = arith.constant 192 : index
    %swap3A_202 = tpu.vector_load %arg13[%swap3A_201] {strides = array<i32>} : memref<512xi32, #tpu.memory_space<vmem>>, vector<16xi32>,
    tpu.vector_store %arg13[%swap3A_201], %gather3A_200 {strides = array<i32>} : memref<512xi32, #tpu.memory_space<vmem>>, vector<16xi32>,
    %get3A_203 = arith.constant 208 : index
    %get3A_204 = tpu.vector_load %arg9[%get3A_203] {strides = array<i32>} : memref<512xi32, #tpu.memory_space<vmem>>, vector<16xi32>,
    %add3A_205 = arith.constant 208 : i32
    %add3A_206 = vector.broadcast %add3A_205 : i32 to vector<16xi32>
    %add3A_207 = arith.addi %add3A_206, %iota3A : vector<16xi32>
    %and3A_208 = arith.constant 15 : i32
    %and3A_209 = vector.broadcast %and3A_208 : i32 to vector<16xi32>
    %and3A_210 = arith.andi %get3A_204, %and3A_209 : vector<16xi32>
    %gather3A_211 = tpu.vector_load_idx %arg10[%add3A_207, %and3A_210] : memref<4096x16xi32, #tpu.memory_space<vmem>>[vector<16xi32>, vector<16xi32>], vector<16xi32>,
    %swap3A_212 = arith.constant 208 : index
    %swap3A_213 = tpu.vector_load %arg13[%swap3A_212] {strides = array<i32>} : memref<512xi32, #tpu.memory_space<vmem>>, vector<16xi32>,
    tpu.vector_store %arg13[%swap3A_212], %gather3A_211 {strides = array<i32>} : memref<512xi32, #tpu.memory_space<vmem>>, vector<16xi32>,
    %get3A_214 = arith.constant 224 : index
    %get3A_215 = tpu.vector_load %arg9[%get3A_214] {strides = array<i32>} : memref<512xi32, #tpu.memory_space<vmem>>, vector<16xi32>,
    %add3A_216 = arith.constant 224 : i32
    %add3A_217 = vector.broadcast %add3A_216 : i32 to vector<16xi32>
    %add3A_218 = arith.addi %add3A_217, %iota3A : vector<16xi32>
    %and3A_219 = arith.constant 15 : i32
    %and3A_220 = vector.broadcast %and3A_219 : i32 to vector<16xi32>
    %and3A_221 = arith.andi %get3A_215, %and3A_220 : vector<16xi32>
    %gather3A_222 = tpu.vector_load_idx %arg10[%add3A_218, %and3A_221] : memref<4096x16xi32, #tpu.memory_space<vmem>>[vector<16xi32>, vector<16xi32>], vector<16xi32>,
    %swap3A_223 = arith.constant 224 : index
    %swap3A_224 = tpu.vector_load %arg13[%swap3A_223] {strides = array<i32>} : memref<512xi32, #tpu.memory_space<vmem>>, vector<16xi32>,
    tpu.vector_store %arg13[%swap3A_223], %gather3A_222 {strides = array<i32>} : memref<512xi32, #tpu.memory_space<vmem>>, vector<16xi32>,
    %get3A_225 = arith.constant 240 : index
    %get3A_226 = tpu.vector_load %arg9[%get3A_225] {strides = array<i32>} : memref<512xi32, #tpu.memory_space<vmem>>, vector<16xi32>,
    %add3A_227 = arith.constant 240 : i32
    %add3A_228 = vector.broadcast %add3A_227 : i32 to vector<16xi32>
    %add3A_229 = arith.addi %add3A_228, %iota3A : vector<16xi32>
    %and3A_230 = arith.constant 15 : i32
    %and3A_231 = vector.broadcast %and3A_230 : i32 to vector<16xi32>
    %and3A_232 = arith.andi %get3A_226, %and3A_231 : vector<16xi32>
    %gather3A_233 = tpu.vector_load_idx %arg10[%add3A_229, %and3A_232] : memref<4096x16xi32, #tpu.memory_space<vmem>>[vector<16xi32>, vector<16xi32>], vector<16xi32>,
    %swap3A_234 = arith.constant 240 : index
    %swap3A_235 = tpu.vector_load %arg13[%swap3A_234] {strides = array<i32>} : memref<512xi32, #tpu.memory_space<vmem>>, vector<16xi32>,
    tpu.vector_store %arg13[%swap3A_234], %gather3A_233 {strides = array<i32>} : memref<512xi32, #tpu.memory_space<vmem>>, vector<16xi32>,
    %dma_start3A_236 = arith.constant 0 : i32
    %dma_start3A_237 = arith.constant 0 : i32
    %dma_start3A_238 = arith.constant 0 : i32
    %dma_start3A_239 = tpu.memref_slice %arg14[%dma_start3A_236, %dma_start3A_237, %dma_start3A_238] : memref<3x64x128xf32, #tpu.memory_space<vmem>> -> memref<1x64x128xf32, #tpu.memory_space<vmem>>
    %dma_start3A_240 = tpu.memref_squeeze %dma_start3A_239 : memref<1x64x128xf32, #tpu.memory_space<vmem>> -> memref<64x128xf32, #tpu.memory_space<vmem>>
    %dma_start3A_241 = arith.constant 0 : i32
    %dma_start3A_242 = tpu.memref_slice %arg13[%dma_start3A_241] : memref<512xi32, #tpu.memory_space<vmem>> -> memref<64xi32, #tpu.memory_space<vmem>>
    %dma_start3A_243 = arith.constant 0 : i32
    %dma_start3A_244 = arith.constant 0 : i32
    %dma_start3A_245 = tpu.memref_slice %arg3[%dma_start3A_243, %dma_start3A_244] : memref<16384x128xf32, #tpu.memory_space<hbm>> -> memref<16384x128xf32, #tpu.memory_space<hbm>>
    tpu.enqueue_indirect_dma source(%dma_start3A_245 : memref<16384x128xf32, #tpu.memory_space<hbm>>) target(%dma_start3A_240 : memref<64x128xf32, #tpu.memory_space<vmem>>) offsets(%dma_start3A_242 : memref<64xi32, #tpu.memory_space<vmem>>) semaphore(%arg17 : memref<!tpu.dma_semaphore, #tpu.memory_space<semaphore_mem>>)
    %dma_start3A_246 = arith.constant 1 : i32
    %dma_start3A_247 = arith.constant 0 : i32
    %dma_start3A_248 = arith.constant 0 : i32
    %dma_start3A_249 = tpu.memref_slice %arg14[%dma_start3A_246, %dma_start3A_247, %dma_start3A_248] : memref<3x64x128xf32, #tpu.memory_space<vmem>> -> memref<1x64x128xf32, #tpu.memory_space<vmem>>
    %dma_start3A_250 = tpu.memref_squeeze %dma_start3A_249 : memref<1x64x128xf32, #tpu.memory_space<vmem>> -> memref<64x128xf32, #tpu.memory_space<vmem>>
    %dma_start3A_251 = arith.constant 64 : i32
    %dma_start3A_252 = tpu.memref_slice %arg13[%dma_start3A_251] : memref<512xi32, #tpu.memory_space<vmem>> -> memref<64xi32, #tpu.memory_space<vmem>>
    %dma_start3A_253 = arith.constant 0 : i32
    %dma_start3A_254 = arith.constant 0 : i32
    %dma_start3A_255 = tpu.memref_slice %arg3[%dma_start3A_253, %dma_start3A_254] : memref<16384x128xf32, #tpu.memory_space<hbm>> -> memref<16384x128xf32, #tpu.memory_space<hbm>>
    tpu.enqueue_indirect_dma source(%dma_start3A_255 : memref<16384x128xf32, #tpu.memory_space<hbm>>) target(%dma_start3A_250 : memref<64x128xf32, #tpu.memory_space<vmem>>) offsets(%dma_start3A_252 : memref<64xi32, #tpu.memory_space<vmem>>) semaphore(%arg18 : memref<!tpu.dma_semaphore, #tpu.memory_space<semaphore_mem>>)
    %dma_wait3A_256 = arith.constant 256 : i32
    %dma_wait3A_257 = arith.constant 0 : i32
    %dma_wait3A_258 = tpu.memref_slice %arg10[%dma_wait3A_256, %dma_wait3A_257] : memref<4096x16xi32, #tpu.memory_space<vmem>> -> memref<256x16xi32, #tpu.memory_space<vmem>>
    %dma_wait3A_259 = arith.constant 256 : i32
    %dma_wait3A_260 = tpu.memref_slice %arg12[%dma_wait3A_259] : memref<512xi32, #tpu.memory_space<vmem>> -> memref<256xi32, #tpu.memory_space<vmem>>
    %dma_wait3A_261 = arith.constant 0 : i32
    %dma_wait3A_262 = arith.constant 0 : i32
    %dma_wait3A_263 = tpu.memref_slice %arg5[%arg0, %dma_wait3A_261, %dma_wait3A_262] : memref<2x65536x16xi32, #tpu.memory_space<hbm>> -> memref<1x65536x16xi32, #tpu.memory_space<hbm>>
    %dma_wait3A_264 = tpu.memref_squeeze %dma_wait3A_263 : memref<1x65536x16xi32, #tpu.memory_space<hbm>> -> memref<65536x16xi32, #tpu.memory_space<hbm>>
    %dma_wait3A_265 = arith.constant 0 : i32
    %dma_wait3A_266 = arith.constant 0 : i32
    %dma_wait3A_267 = tpu.memref_slice %dma_wait3A_264[%dma_wait3A_265, %dma_wait3A_266] : memref<65536x16xi32, #tpu.memory_space<hbm>> -> memref<65536x16xi32, #tpu.memory_space<hbm>>
    tpu.wait_indirect_dma semaphore(%arg16 : memref<!tpu.dma_semaphore, #tpu.memory_space<semaphore_mem>>) src(%dma_wait3A_267 : memref<65536x16xi32, #tpu.memory_space<hbm>>) dst(%dma_wait3A_258 : memref<256x16xi32, #tpu.memory_space<vmem>>)
    %get3A_268 = arith.constant 256 : index
    %get3A_269 = tpu.vector_load %arg9[%get3A_268] {strides = array<i32>} : memref<512xi32, #tpu.memory_space<vmem>>, vector<16xi32>,
    %add3A_270 = arith.constant 256 : i32
    %add3A_271 = vector.broadcast %add3A_270 : i32 to vector<16xi32>
    %add3A_272 = arith.addi %add3A_271, %iota3A : vector<16xi32>
    %and3A_273 = arith.constant 15 : i32
    %and3A_274 = vector.broadcast %and3A_273 : i32 to vector<16xi32>
    %and3A_275 = arith.andi %get3A_269, %and3A_274 : vector<16xi32>
    %gather3A_276 = tpu.vector_load_idx %arg10[%add3A_272, %and3A_275] : memref<4096x16xi32, #tpu.memory_space<vmem>>[vector<16xi32>, vector<16xi32>], vector<16xi32>,
    %swap3A_277 = arith.constant 256 : index
    %swap3A_278 = tpu.vector_load %arg13[%swap3A_277] {strides = array<i32>} : memref<512xi32, #tpu.memory_space<vmem>>, vector<16xi32>,
    tpu.vector_store %arg13[%swap3A_277], %gather3A_276 {strides = array<i32>} : memref<512xi32, #tpu.memory_space<vmem>>, vector<16xi32>,
    %get3A_279 = arith.constant 272 : index
    %get3A_280 = tpu.vector_load %arg9[%get3A_279] {strides = array<i32>} : memref<512xi32, #tpu.memory_space<vmem>>, vector<16xi32>,
    %add3A_281 = arith.constant 272 : i32
    %add3A_282 = vector.broadcast %add3A_281 : i32 to vector<16xi32>
    %add3A_283 = arith.addi %add3A_282, %iota3A : vector<16xi32>
    %and3A_284 = arith.constant 15 : i32
    %and3A_285 = vector.broadcast %and3A_284 : i32 to vector<16xi32>
    %and3A_286 = arith.andi %get3A_280, %and3A_285 : vector<16xi32>
    %gather3A_287 = tpu.vector_load_idx %arg10[%add3A_283, %and3A_286] : memref<4096x16xi32, #tpu.memory_space<vmem>>[vector<16xi32>, vector<16xi32>], vector<16xi32>,
    %swap3A_288 = arith.constant 272 : index
    %swap3A_289 = tpu.vector_load %arg13[%swap3A_288] {strides = array<i32>} : memref<512xi32, #tpu.memory_space<vmem>>, vector<16xi32>,
    tpu.vector_store %arg13[%swap3A_288], %gather3A_287 {strides = array<i32>} : memref<512xi32, #tpu.memory_space<vmem>>, vector<16xi32>,
    %get3A_290 = arith.constant 288 : index
    %get3A_291 = tpu.vector_load %arg9[%get3A_290] {strides = array<i32>} : memref<512xi32, #tpu.memory_space<vmem>>, vector<16xi32>,
    %add3A_292 = arith.constant 288 : i32
    %add3A_293 = vector.broadcast %add3A_292 : i32 to vector<16xi32>
    %add3A_294 = arith.addi %add3A_293, %iota3A : vector<16xi32>
    %and3A_295 = arith.constant 15 : i32
    %and3A_296 = vector.broadcast %and3A_295 : i32 to vector<16xi32>
    %and3A_297 = arith.andi %get3A_291, %and3A_296 : vector<16xi32>
    %gather3A_298 = tpu.vector_load_idx %arg10[%add3A_294, %and3A_297] : memref<4096x16xi32, #tpu.memory_space<vmem>>[vector<16xi32>, vector<16xi32>], vector<16xi32>,
    %swap3A_299 = arith.constant 288 : index
    %swap3A_300 = tpu.vector_load %arg13[%swap3A_299] {strides = array<i32>} : memref<512xi32, #tpu.memory_space<vmem>>, vector<16xi32>,
    tpu.vector_store %arg13[%swap3A_299], %gather3A_298 {strides = array<i32>} : memref<512xi32, #tpu.memory_space<vmem>>, vector<16xi32>,
    %get3A_301 = arith.constant 304 : index
    %get3A_302 = tpu.vector_load %arg9[%get3A_301] {strides = array<i32>} : memref<512xi32, #tpu.memory_space<vmem>>, vector<16xi32>,
    %add3A_303 = arith.constant 304 : i32
    %add3A_304 = vector.broadcast %add3A_303 : i32 to vector<16xi32>
    %add3A_305 = arith.addi %add3A_304, %iota3A : vector<16xi32>
    %and3A_306 = arith.constant 15 : i32
    %and3A_307 = vector.broadcast %and3A_306 : i32 to vector<16xi32>
    %and3A_308 = arith.andi %get3A_302, %and3A_307 : vector<16xi32>
    %gather3A_309 = tpu.vector_load_idx %arg10[%add3A_305, %and3A_308] : memref<4096x16xi32, #tpu.memory_space<vmem>>[vector<16xi32>, vector<16xi32>], vector<16xi32>,
    %swap3A_310 = arith.constant 304 : index
    %swap3A_311 = tpu.vector_load %arg13[%swap3A_310] {strides = array<i32>} : memref<512xi32, #tpu.memory_space<vmem>>, vector<16xi32>,
    tpu.vector_store %arg13[%swap3A_310], %gather3A_309 {strides = array<i32>} : memref<512xi32, #tpu.memory_space<vmem>>, vector<16xi32>,
    %get3A_312 = arith.constant 320 : index
    %get3A_313 = tpu.vector_load %arg9[%get3A_312] {strides = array<i32>} : memref<512xi32, #tpu.memory_space<vmem>>, vector<16xi32>,
    %add3A_314 = arith.constant 320 : i32
    %add3A_315 = vector.broadcast %add3A_314 : i32 to vector<16xi32>
    %add3A_316 = arith.addi %add3A_315, %iota3A : vector<16xi32>
    %and3A_317 = arith.constant 15 : i32
    %and3A_318 = vector.broadcast %and3A_317 : i32 to vector<16xi32>
    %and3A_319 = arith.andi %get3A_313, %and3A_318 : vector<16xi32>
    %gather3A_320 = tpu.vector_load_idx %arg10[%add3A_316, %and3A_319] : memref<4096x16xi32, #tpu.memory_space<vmem>>[vector<16xi32>, vector<16xi32>], vector<16xi32>,
    %swap3A_321 = arith.constant 320 : index
    %swap3A_322 = tpu.vector_load %arg13[%swap3A_321] {strides = array<i32>} : memref<512xi32, #tpu.memory_space<vmem>>, vector<16xi32>,
    tpu.vector_store %arg13[%swap3A_321], %gather3A_320 {strides = array<i32>} : memref<512xi32, #tpu.memory_space<vmem>>, vector<16xi32>,
    %get3A_323 = arith.constant 336 : index
    %get3A_324 = tpu.vector_load %arg9[%get3A_323] {strides = array<i32>} : memref<512xi32, #tpu.memory_space<vmem>>, vector<16xi32>,
    %add3A_325 = arith.constant 336 : i32
    %add3A_326 = vector.broadcast %add3A_325 : i32 to vector<16xi32>
    %add3A_327 = arith.addi %add3A_326, %iota3A : vector<16xi32>
    %and3A_328 = arith.constant 15 : i32
    %and3A_329 = vector.broadcast %and3A_328 : i32 to vector<16xi32>
    %and3A_330 = arith.andi %get3A_324, %and3A_329 : vector<16xi32>
    %gather3A_331 = tpu.vector_load_idx %arg10[%add3A_327, %and3A_330] : memref<4096x16xi32, #tpu.memory_space<vmem>>[vector<16xi32>, vector<16xi32>], vector<16xi32>,
    %swap3A_332 = arith.constant 336 : index
    %swap3A_333 = tpu.vector_load %arg13[%swap3A_332] {strides = array<i32>} : memref<512xi32, #tpu.memory_space<vmem>>, vector<16xi32>,
    tpu.vector_store %arg13[%swap3A_332], %gather3A_331 {strides = array<i32>} : memref<512xi32, #tpu.memory_space<vmem>>, vector<16xi32>,
    %get3A_334 = arith.constant 352 : index
    %get3A_335 = tpu.vector_load %arg9[%get3A_334] {strides = array<i32>} : memref<512xi32, #tpu.memory_space<vmem>>, vector<16xi32>,
    %add3A_336 = arith.constant 352 : i32
    %add3A_337 = vector.broadcast %add3A_336 : i32 to vector<16xi32>
    %add3A_338 = arith.addi %add3A_337, %iota3A : vector<16xi32>
    %and3A_339 = arith.constant 15 : i32
    %and3A_340 = vector.broadcast %and3A_339 : i32 to vector<16xi32>
    %and3A_341 = arith.andi %get3A_335, %and3A_340 : vector<16xi32>
    %gather3A_342 = tpu.vector_load_idx %arg10[%add3A_338, %and3A_341] : memref<4096x16xi32, #tpu.memory_space<vmem>>[vector<16xi32>, vector<16xi32>], vector<16xi32>,
    %swap3A_343 = arith.constant 352 : index
    %swap3A_344 = tpu.vector_load %arg13[%swap3A_343] {strides = array<i32>} : memref<512xi32, #tpu.memory_space<vmem>>, vector<16xi32>,
    tpu.vector_store %arg13[%swap3A_343], %gather3A_342 {strides = array<i32>} : memref<512xi32, #tpu.memory_space<vmem>>, vector<16xi32>,
    %get3A_345 = arith.constant 368 : index
    %get3A_346 = tpu.vector_load %arg9[%get3A_345] {strides = array<i32>} : memref<512xi32, #tpu.memory_space<vmem>>, vector<16xi32>,
    %add3A_347 = arith.constant 368 : i32
    %add3A_348 = vector.broadcast %add3A_347 : i32 to vector<16xi32>
    %add3A_349 = arith.addi %add3A_348, %iota3A : vector<16xi32>
    %and3A_350 = arith.constant 15 : i32
    %and3A_351 = vector.broadcast %and3A_350 : i32 to vector<16xi32>
    %and3A_352 = arith.andi %get3A_346, %and3A_351 : vector<16xi32>
    %gather3A_353 = tpu.vector_load_idx %arg10[%add3A_349, %and3A_352] : memref<4096x16xi32, #tpu.memory_space<vmem>>[vector<16xi32>, vector<16xi32>], vector<16xi32>,
    %swap3A_354 = arith.constant 368 : index
    %swap3A_355 = tpu.vector_load %arg13[%swap3A_354] {strides = array<i32>} : memref<512xi32, #tpu.memory_space<vmem>>, vector<16xi32>,
    tpu.vector_store %arg13[%swap3A_354], %gather3A_353 {strides = array<i32>} : memref<512xi32, #tpu.memory_space<vmem>>, vector<16xi32>,
    %get3A_356 = arith.constant 384 : index
    %get3A_357 = tpu.vector_load %arg9[%get3A_356] {strides = array<i32>} : memref<512xi32, #tpu.memory_space<vmem>>, vector<16xi32>,
    %add3A_358 = arith.constant 384 : i32
    %add3A_359 = vector.broadcast %add3A_358 : i32 to vector<16xi32>
    %add3A_360 = arith.addi %add3A_359, %iota3A : vector<16xi32>
    %and3A_361 = arith.constant 15 : i32
    %and3A_362 = vector.broadcast %and3A_361 : i32 to vector<16xi32>
    %and3A_363 = arith.andi %get3A_357, %and3A_362 : vector<16xi32>
    %gather3A_364 = tpu.vector_load_idx %arg10[%add3A_360, %and3A_363] : memref<4096x16xi32, #tpu.memory_space<vmem>>[vector<16xi32>, vector<16xi32>], vector<16xi32>,
    %swap3A_365 = arith.constant 384 : index
    %swap3A_366 = tpu.vector_load %arg13[%swap3A_365] {strides = array<i32>} : memref<512xi32, #tpu.memory_space<vmem>>, vector<16xi32>,
    tpu.vector_store %arg13[%swap3A_365], %gather3A_364 {strides = array<i32>} : memref<512xi32, #tpu.memory_space<vmem>>, vector<16xi32>,
    %get3A_367 = arith.constant 400 : index
    %get3A_368 = tpu.vector_load %arg9[%get3A_367] {strides = array<i32>} : memref<512xi32, #tpu.memory_space<vmem>>, vector<16xi32>,
    %add3A_369 = arith.constant 400 : i32
    %add3A_370 = vector.broadcast %add3A_369 : i32 to vector<16xi32>
    %add3A_371 = arith.addi %add3A_370, %iota3A : vector<16xi32>
    %and3A_372 = arith.constant 15 : i32
    %and3A_373 = vector.broadcast %and3A_372 : i32 to vector<16xi32>
    %and3A_374 = arith.andi %get3A_368, %and3A_373 : vector<16xi32>
    %gather3A_375 = tpu.vector_load_idx %arg10[%add3A_371, %and3A_374] : memref<4096x16xi32, #tpu.memory_space<vmem>>[vector<16xi32>, vector<16xi32>], vector<16xi32>,
    %swap3A_376 = arith.constant 400 : index
    %swap3A_377 = tpu.vector_load %arg13[%swap3A_376] {strides = array<i32>} : memref<512xi32, #tpu.memory_space<vmem>>, vector<16xi32>,
    tpu.vector_store %arg13[%swap3A_376], %gather3A_375 {strides = array<i32>} : memref<512xi32, #tpu.memory_space<vmem>>, vector<16xi32>,
    %get3A_378 = arith.constant 416 : index
    %get3A_379 = tpu.vector_load %arg9[%get3A_378] {strides = array<i32>} : memref<512xi32, #tpu.memory_space<vmem>>, vector<16xi32>,
    %add3A_380 = arith.constant 416 : i32
    %add3A_381 = vector.broadcast %add3A_380 : i32 to vector<16xi32>
    %add3A_382 = arith.addi %add3A_381, %iota3A : vector<16xi32>
    %and3A_383 = arith.constant 15 : i32
    %and3A_384 = vector.broadcast %and3A_383 : i32 to vector<16xi32>
    %and3A_385 = arith.andi %get3A_379, %and3A_384 : vector<16xi32>
    %gather3A_386 = tpu.vector_load_idx %arg10[%add3A_382, %and3A_385] : memref<4096x16xi32, #tpu.memory_space<vmem>>[vector<16xi32>, vector<16xi32>], vector<16xi32>,
    %swap3A_387 = arith.constant 416 : index
    %swap3A_388 = tpu.vector_load %arg13[%swap3A_387] {strides = array<i32>} : memref<512xi32, #tpu.memory_space<vmem>>, vector<16xi32>,
    tpu.vector_store %arg13[%swap3A_387], %gather3A_386 {strides = array<i32>} : memref<512xi32, #tpu.memory_space<vmem>>, vector<16xi32>,
    %get3A_389 = arith.constant 432 : index
    %get3A_390 = tpu.vector_load %arg9[%get3A_389] {strides = array<i32>} : memref<512xi32, #tpu.memory_space<vmem>>, vector<16xi32>,
    %add3A_391 = arith.constant 432 : i32
    %add3A_392 = vector.broadcast %add3A_391 : i32 to vector<16xi32>
    %add3A_393 = arith.addi %add3A_392, %iota3A : vector<16xi32>
    %and3A_394 = arith.constant 15 : i32
    %and3A_395 = vector.broadcast %and3A_394 : i32 to vector<16xi32>
    %and3A_396 = arith.andi %get3A_390, %and3A_395 : vector<16xi32>
    %gather3A_397 = tpu.vector_load_idx %arg10[%add3A_393, %and3A_396] : memref<4096x16xi32, #tpu.memory_space<vmem>>[vector<16xi32>, vector<16xi32>], vector<16xi32>,
    %swap3A_398 = arith.constant 432 : index
    %swap3A_399 = tpu.vector_load %arg13[%swap3A_398] {strides = array<i32>} : memref<512xi32, #tpu.memory_space<vmem>>, vector<16xi32>,
    tpu.vector_store %arg13[%swap3A_398], %gather3A_397 {strides = array<i32>} : memref<512xi32, #tpu.memory_space<vmem>>, vector<16xi32>,
    %get3A_400 = arith.constant 448 : index
    %get3A_401 = tpu.vector_load %arg9[%get3A_400] {strides = array<i32>} : memref<512xi32, #tpu.memory_space<vmem>>, vector<16xi32>,
    %add3A_402 = arith.constant 448 : i32
    %add3A_403 = vector.broadcast %add3A_402 : i32 to vector<16xi32>
    %add3A_404 = arith.addi %add3A_403, %iota3A : vector<16xi32>
    %and3A_405 = arith.constant 15 : i32
    %and3A_406 = vector.broadcast %and3A_405 : i32 to vector<16xi32>
    %and3A_407 = arith.andi %get3A_401, %and3A_406 : vector<16xi32>
    %gather3A_408 = tpu.vector_load_idx %arg10[%add3A_404, %and3A_407] : memref<4096x16xi32, #tpu.memory_space<vmem>>[vector<16xi32>, vector<16xi32>], vector<16xi32>,
    %swap3A_409 = arith.constant 448 : index
    %swap3A_410 = tpu.vector_load %arg13[%swap3A_409] {strides = array<i32>} : memref<512xi32, #tpu.memory_space<vmem>>, vector<16xi32>,
    tpu.vector_store %arg13[%swap3A_409], %gather3A_408 {strides = array<i32>} : memref<512xi32, #tpu.memory_space<vmem>>, vector<16xi32>,
    %get3A_411 = arith.constant 464 : index
    %get3A_412 = tpu.vector_load %arg9[%get3A_411] {strides = array<i32>} : memref<512xi32, #tpu.memory_space<vmem>>, vector<16xi32>,
    %add3A_413 = arith.constant 464 : i32
    %add3A_414 = vector.broadcast %add3A_413 : i32 to vector<16xi32>
    %add3A_415 = arith.addi %add3A_414, %iota3A : vector<16xi32>
    %and3A_416 = arith.constant 15 : i32
    %and3A_417 = vector.broadcast %and3A_416 : i32 to vector<16xi32>
    %and3A_418 = arith.andi %get3A_412, %and3A_417 : vector<16xi32>
    %gather3A_419 = tpu.vector_load_idx %arg10[%add3A_415, %and3A_418] : memref<4096x16xi32, #tpu.memory_space<vmem>>[vector<16xi32>, vector<16xi32>], vector<16xi32>,
    %swap3A_420 = arith.constant 464 : index
    %swap3A_421 = tpu.vector_load %arg13[%swap3A_420] {strides = array<i32>} : memref<512xi32, #tpu.memory_space<vmem>>, vector<16xi32>,
    tpu.vector_store %arg13[%swap3A_420], %gather3A_419 {strides = array<i32>} : memref<512xi32, #tpu.memory_space<vmem>>, vector<16xi32>,
    %get3A_422 = arith.constant 480 : index
    %get3A_423 = tpu.vector_load %arg9[%get3A_422] {strides = array<i32>} : memref<512xi32, #tpu.memory_space<vmem>>, vector<16xi32>,
    %add3A_424 = arith.constant 480 : i32
    %add3A_425 = vector.broadcast %add3A_424 : i32 to vector<16xi32>
    %add3A_426 = arith.addi %add3A_425, %iota3A : vector<16xi32>
    %and3A_427 = arith.constant 15 : i32
    %and3A_428 = vector.broadcast %and3A_427 : i32 to vector<16xi32>
    %and3A_429 = arith.andi %get3A_423, %and3A_428 : vector<16xi32>
    %gather3A_430 = tpu.vector_load_idx %arg10[%add3A_426, %and3A_429] : memref<4096x16xi32, #tpu.memory_space<vmem>>[vector<16xi32>, vector<16xi32>], vector<16xi32>,
    %swap3A_431 = arith.constant 480 : index
    %swap3A_432 = tpu.vector_load %arg13[%swap3A_431] {strides = array<i32>} : memref<512xi32, #tpu.memory_space<vmem>>, vector<16xi32>,
    tpu.vector_store %arg13[%swap3A_431], %gather3A_430 {strides = array<i32>} : memref<512xi32, #tpu.memory_space<vmem>>, vector<16xi32>,
    %get3A_433 = arith.constant 496 : index
    %get3A_434 = tpu.vector_load %arg9[%get3A_433] {strides = array<i32>} : memref<512xi32, #tpu.memory_space<vmem>>, vector<16xi32>,
    %add3A_435 = arith.constant 496 : i32
    %add3A_436 = vector.broadcast %add3A_435 : i32 to vector<16xi32>
    %add3A_437 = arith.addi %add3A_436, %iota3A : vector<16xi32>
    %and3A_438 = arith.constant 15 : i32
    %and3A_439 = vector.broadcast %and3A_438 : i32 to vector<16xi32>
    %and3A_440 = arith.andi %get3A_434, %and3A_439 : vector<16xi32>
    %gather3A_441 = tpu.vector_load_idx %arg10[%add3A_437, %and3A_440] : memref<4096x16xi32, #tpu.memory_space<vmem>>[vector<16xi32>, vector<16xi32>], vector<16xi32>,
    %swap3A_442 = arith.constant 496 : index
    %swap3A_443 = tpu.vector_load %arg13[%swap3A_442] {strides = array<i32>} : memref<512xi32, #tpu.memory_space<vmem>>, vector<16xi32>,
    tpu.vector_store %arg13[%swap3A_442], %gather3A_441 {strides = array<i32>} : memref<512xi32, #tpu.memory_space<vmem>>, vector<16xi32>,
    %dma_start3A_444 = arith.constant 2 : i32
    %dma_start3A_445 = arith.constant 0 : i32
    %dma_start3A_446 = arith.constant 0 : i32
    %dma_start3A_447 = tpu.memref_slice %arg14[%dma_start3A_444, %dma_start3A_445, %dma_start3A_446] : memref<3x64x128xf32, #tpu.memory_space<vmem>> -> memref<1x64x128xf32, #tpu.memory_space<vmem>>
    %dma_start3A_448 = tpu.memref_squeeze %dma_start3A_447 : memref<1x64x128xf32, #tpu.memory_space<vmem>> -> memref<64x128xf32, #tpu.memory_space<vmem>>
    %dma_start3A_449 = arith.constant 128 : i32
    %dma_start3A_450 = tpu.memref_slice %arg13[%dma_start3A_449] : memref<512xi32, #tpu.memory_space<vmem>> -> memref<64xi32, #tpu.memory_space<vmem>>
    %dma_start3A_451 = arith.constant 0 : i32
    %dma_start3A_452 = arith.constant 0 : i32
    %dma_start3A_453 = tpu.memref_slice %arg3[%dma_start3A_451, %dma_start3A_452] : memref<16384x128xf32, #tpu.memory_space<hbm>> -> memref<16384x128xf32, #tpu.memory_space<hbm>>
    tpu.enqueue_indirect_dma source(%dma_start3A_453 : memref<16384x128xf32, #tpu.memory_space<hbm>>) target(%dma_start3A_448 : memref<64x128xf32, #tpu.memory_space<vmem>>) offsets(%dma_start3A_450 : memref<64xi32, #tpu.memory_space<vmem>>) semaphore(%arg15 : memref<!tpu.dma_semaphore, #tpu.memory_space<semaphore_mem>>)
    %dma_wait3A_454 = arith.constant 0 : i32
    %dma_wait3A_455 = arith.constant 0 : i32
    %dma_wait3A_456 = arith.constant 0 : i32
    %dma_wait3A_457 = tpu.memref_slice %arg14[%dma_wait3A_454, %dma_wait3A_455, %dma_wait3A_456] : memref<3x64x128xf32, #tpu.memory_space<vmem>> -> memref<1x64x128xf32, #tpu.memory_space<vmem>>
    %dma_wait3A_458 = tpu.memref_squeeze %dma_wait3A_457 : memref<1x64x128xf32, #tpu.memory_space<vmem>> -> memref<64x128xf32, #tpu.memory_space<vmem>>
    %dma_wait3A_459 = arith.constant 0 : i32
    %dma_wait3A_460 = tpu.memref_slice %arg13[%dma_wait3A_459] : memref<512xi32, #tpu.memory_space<vmem>> -> memref<64xi32, #tpu.memory_space<vmem>>
    %dma_wait3A_461 = arith.constant 0 : i32
    %dma_wait3A_462 = arith.constant 0 : i32
    %dma_wait3A_463 = tpu.memref_slice %arg3[%dma_wait3A_461, %dma_wait3A_462] : memref<16384x128xf32, #tpu.memory_space<hbm>> -> memref<16384x128xf32, #tpu.memory_space<hbm>>
    tpu.wait_indirect_dma semaphore(%arg17 : memref<!tpu.dma_semaphore, #tpu.memory_space<semaphore_mem>>) src(%dma_wait3A_463 : memref<16384x128xf32, #tpu.memory_space<hbm>>) dst(%dma_wait3A_458 : memref<64x128xf32, #tpu.memory_space<vmem>>)
    %add3A_464 = arith.constant 0 : i32
    %add3A_465 = arith.addi %mul3A_2, %add3A_464 : i32
    %run_scoped3A = arith.constant 0 : i32
    "tpu.region"() ({
      %run_scoped3A_607 = tpu.sem_alloc : memref<!tpu.dma_semaphore, #tpu.memory_space<semaphore_mem>>
      %dma_start3A_608 = arith.constant 0 : i32
      %dma_start3A_609 = arith.constant 0 : i32
      %dma_start3A_610 = tpu.memref_slice %arg14[%run_scoped3A, %dma_start3A_608, %dma_start3A_609] : memref<3x64x128xf32, #tpu.memory_space<vmem>> -> memref<1x64x128xf32, #tpu.memory_space<vmem>>
      %dma_start3A_611 = tpu.memref_squeeze %dma_start3A_610 : memref<1x64x128xf32, #tpu.memory_space<vmem>> -> memref<64x128xf32, #tpu.memory_space<vmem>>
      %dma_start3A_612 = arith.constant 0 : i32
      %dma_start3A_613 = tpu.memref_slice %arg4[%add3A_465, %dma_start3A_612] : memref<16384x128xf32, #tpu.memory_space<hbm>> -> memref<64x128xf32, #tpu.memory_space<hbm>>
      %dma_start3A_614 = arith.constant 0 : i32
      %dma_start3A_615 = tpu.memref_slice %arg4[%add3A_465, %dma_start3A_614] : memref<16384x128xf32, #tpu.memory_space<hbm>> -> memref<64x128xf32, #tpu.memory_space<hbm>>
      %dma_start3A_616 = arith.constant 0 : i32
      %dma_start3A_617 = arith.constant 0 : i32
      %dma_start3A_618 = tpu.memref_slice %arg14[%run_scoped3A, %dma_start3A_616, %dma_start3A_617] : memref<3x64x128xf32, #tpu.memory_space<vmem>> -> memref<1x64x128xf32, #tpu.memory_space<vmem>>
      %dma_start3A_619 = tpu.memref_squeeze %dma_start3A_618 : memref<1x64x128xf32, #tpu.memory_space<vmem>> -> memref<64x128xf32, #tpu.memory_space<vmem>>
      tpu.enqueue_dma source(%dma_start3A_619 : memref<64x128xf32, #tpu.memory_space<vmem>>) target(%dma_start3A_615 : memref<64x128xf32, #tpu.memory_space<hbm>>) target_semaphore(%run_scoped3A_607 : memref<!tpu.dma_semaphore, #tpu.memory_space<semaphore_mem>>)
      %dma_wait3A_620 = arith.constant 0 : i32
      %dma_wait3A_621 = arith.constant 0 : i32
      %dma_wait3A_622 = tpu.memref_slice %arg14[%run_scoped3A, %dma_wait3A_620, %dma_wait3A_621] : memref<3x64x128xf32, #tpu.memory_space<vmem>> -> memref<1x64x128xf32, #tpu.memory_space<vmem>>
      %dma_wait3A_623 = tpu.memref_squeeze %dma_wait3A_622 : memref<1x64x128xf32, #tpu.memory_space<vmem>> -> memref<64x128xf32, #tpu.memory_space<vmem>>
      %dma_wait3A_624 = arith.constant 0 : i32
      %dma_wait3A_625 = tpu.memref_slice %arg4[%add3A_465, %dma_wait3A_624] : memref<16384x128xf32, #tpu.memory_space<hbm>> -> memref<64x128xf32, #tpu.memory_space<hbm>>
      %dma_wait3A_626 = arith.constant 0 : i32
      %dma_wait3A_627 = tpu.memref_slice %arg4[%add3A_465, %dma_wait3A_626] : memref<16384x128xf32, #tpu.memory_space<hbm>> -> memref<64x128xf32, #tpu.memory_space<hbm>>
      %dma_wait3A_628 = arith.constant 0 : i32
      %dma_wait3A_629 = arith.constant 0 : i32
      %dma_wait3A_630 = tpu.memref_slice %arg14[%run_scoped3A, %dma_wait3A_628, %dma_wait3A_629] : memref<3x64x128xf32, #tpu.memory_space<vmem>> -> memref<1x64x128xf32, #tpu.memory_space<vmem>>
      %dma_wait3A_631 = tpu.memref_squeeze %dma_wait3A_630 : memref<1x64x128xf32, #tpu.memory_space<vmem>> -> memref<64x128xf32, #tpu.memory_space<vmem>>
      tpu.wait_dma2 semaphore(%run_scoped3A_607 : memref<!tpu.dma_semaphore, #tpu.memory_space<semaphore_mem>>) src(%dma_wait3A_631 : memref<64x128xf32, #tpu.memory_space<vmem>>) dst(%dma_wait3A_627 : memref<64x128xf32, #tpu.memory_space<hbm>>)
      tpu.yield
    }) : () -> ()
    %dma_start3A_466 = arith.constant 0 : i32
    %dma_start3A_467 = arith.constant 0 : i32
    %dma_start3A_468 = arith.constant 0 : i32
    %dma_start3A_469 = tpu.memref_slice %arg14[%dma_start3A_466, %dma_start3A_467, %dma_start3A_468] : memref<3x64x128xf32, #tpu.memory_space<vmem>> -> memref<1x64x128xf32, #tpu.memory_space<vmem>>
    %dma_start3A_470 = tpu.memref_squeeze %dma_start3A_469 : memref<1x64x128xf32, #tpu.memory_space<vmem>> -> memref<64x128xf32, #tpu.memory_space<vmem>>
    %dma_start3A_471 = arith.constant 192 : i32
    %dma_start3A_472 = tpu.memref_slice %arg13[%dma_start3A_471] : memref<512xi32, #tpu.memory_space<vmem>> -> memref<64xi32, #tpu.memory_space<vmem>>
    %dma_start3A_473 = arith.constant 0 : i32
    %dma_start3A_474 = arith.constant 0 : i32
    %dma_start3A_475 = tpu.memref_slice %arg3[%dma_start3A_473, %dma_start3A_474] : memref<16384x128xf32, #tpu.memory_space<hbm>> -> memref<16384x128xf32, #tpu.memory_space<hbm>>
    tpu.enqueue_indirect_dma source(%dma_start3A_475 : memref<16384x128xf32, #tpu.memory_space<hbm>>) target(%dma_start3A_470 : memref<64x128xf32, #tpu.memory_space<vmem>>) offsets(%dma_start3A_472 : memref<64xi32, #tpu.memory_space<vmem>>) semaphore(%arg17 : memref<!tpu.dma_semaphore, #tpu.memory_space<semaphore_mem>>)
    %dma_wait3A_476 = arith.constant 1 : i32
    %dma_wait3A_477 = arith.constant 0 : i32
    %dma_wait3A_478 = arith.constant 0 : i32
    %dma_wait3A_479 = tpu.memref_slice %arg14[%dma_wait3A_476, %dma_wait3A_477, %dma_wait3A_478] : memref<3x64x128xf32, #tpu.memory_space<vmem>> -> memref<1x64x128xf32, #tpu.memory_space<vmem>>
    %dma_wait3A_480 = tpu.memref_squeeze %dma_wait3A_479 : memref<1x64x128xf32, #tpu.memory_space<vmem>> -> memref<64x128xf32, #tpu.memory_space<vmem>>
    %dma_wait3A_481 = arith.constant 64 : i32
    %dma_wait3A_482 = tpu.memref_slice %arg13[%dma_wait3A_481] : memref<512xi32, #tpu.memory_space<vmem>> -> memref<64xi32, #tpu.memory_space<vmem>>
    %dma_wait3A_483 = arith.constant 0 : i32
    %dma_wait3A_484 = arith.constant 0 : i32
    %dma_wait3A_485 = tpu.memref_slice %arg3[%dma_wait3A_483, %dma_wait3A_484] : memref<16384x128xf32, #tpu.memory_space<hbm>> -> memref<16384x128xf32, #tpu.memory_space<hbm>>
    tpu.wait_indirect_dma semaphore(%arg18 : memref<!tpu.dma_semaphore, #tpu.memory_space<semaphore_mem>>) src(%dma_wait3A_485 : memref<16384x128xf32, #tpu.memory_space<hbm>>) dst(%dma_wait3A_480 : memref<64x128xf32, #tpu.memory_space<vmem>>)
    %add3A_486 = arith.constant 64 : i32
    %add3A_487 = arith.addi %mul3A_2, %add3A_486 : i32
    %run_scoped3A_488 = arith.constant 1 : i32
    "tpu.region"() ({
      %run_scoped3A_607 = tpu.sem_alloc : memref<!tpu.dma_semaphore, #tpu.memory_space<semaphore_mem>>
      %dma_start3A_608 = arith.constant 0 : i32
      %dma_start3A_609 = arith.constant 0 : i32
      %dma_start3A_610 = tpu.memref_slice %arg14[%run_scoped3A_488, %dma_start3A_608, %dma_start3A_609] : memref<3x64x128xf32, #tpu.memory_space<vmem>> -> memref<1x64x128xf32, #tpu.memory_space<vmem>>
      %dma_start3A_611 = tpu.memref_squeeze %dma_start3A_610 : memref<1x64x128xf32, #tpu.memory_space<vmem>> -> memref<64x128xf32, #tpu.memory_space<vmem>>
      %dma_start3A_612 = arith.constant 0 : i32
      %dma_start3A_613 = tpu.memref_slice %arg4[%add3A_487, %dma_start3A_612] : memref<16384x128xf32, #tpu.memory_space<hbm>> -> memref<64x128xf32, #tpu.memory_space<hbm>>
      %dma_start3A_614 = arith.constant 0 : i32
      %dma_start3A_615 = tpu.memref_slice %arg4[%add3A_487, %dma_start3A_614] : memref<16384x128xf32, #tpu.memory_space<hbm>> -> memref<64x128xf32, #tpu.memory_space<hbm>>
      %dma_start3A_616 = arith.constant 0 : i32
      %dma_start3A_617 = arith.constant 0 : i32
      %dma_start3A_618 = tpu.memref_slice %arg14[%run_scoped3A_488, %dma_start3A_616, %dma_start3A_617] : memref<3x64x128xf32, #tpu.memory_space<vmem>> -> memref<1x64x128xf32, #tpu.memory_space<vmem>>
      %dma_start3A_619 = tpu.memref_squeeze %dma_start3A_618 : memref<1x64x128xf32, #tpu.memory_space<vmem>> -> memref<64x128xf32, #tpu.memory_space<vmem>>
      tpu.enqueue_dma source(%dma_start3A_619 : memref<64x128xf32, #tpu.memory_space<vmem>>) target(%dma_start3A_615 : memref<64x128xf32, #tpu.memory_space<hbm>>) target_semaphore(%run_scoped3A_607 : memref<!tpu.dma_semaphore, #tpu.memory_space<semaphore_mem>>)
      %dma_wait3A_620 = arith.constant 0 : i32
      %dma_wait3A_621 = arith.constant 0 : i32
      %dma_wait3A_622 = tpu.memref_slice %arg14[%run_scoped3A_488, %dma_wait3A_620, %dma_wait3A_621] : memref<3x64x128xf32, #tpu.memory_space<vmem>> -> memref<1x64x128xf32, #tpu.memory_space<vmem>>
      %dma_wait3A_623 = tpu.memref_squeeze %dma_wait3A_622 : memref<1x64x128xf32, #tpu.memory_space<vmem>> -> memref<64x128xf32, #tpu.memory_space<vmem>>
      %dma_wait3A_624 = arith.constant 0 : i32
      %dma_wait3A_625 = tpu.memref_slice %arg4[%add3A_487, %dma_wait3A_624] : memref<16384x128xf32, #tpu.memory_space<hbm>> -> memref<64x128xf32, #tpu.memory_space<hbm>>
      %dma_wait3A_626 = arith.constant 0 : i32
      %dma_wait3A_627 = tpu.memref_slice %arg4[%add3A_487, %dma_wait3A_626] : memref<16384x128xf32, #tpu.memory_space<hbm>> -> memref<64x128xf32, #tpu.memory_space<hbm>>
      %dma_wait3A_628 = arith.constant 0 : i32
      %dma_wait3A_629 = arith.constant 0 : i32
      %dma_wait3A_630 = tpu.memref_slice %arg14[%run_scoped3A_488, %dma_wait3A_628, %dma_wait3A_629] : memref<3x64x128xf32, #tpu.memory_space<vmem>> -> memref<1x64x128xf32, #tpu.memory_space<vmem>>
      %dma_wait3A_631 = tpu.memref_squeeze %dma_wait3A_630 : memref<1x64x128xf32, #tpu.memory_space<vmem>> -> memref<64x128xf32, #tpu.memory_space<vmem>>
      tpu.wait_dma2 semaphore(%run_scoped3A_607 : memref<!tpu.dma_semaphore, #tpu.memory_space<semaphore_mem>>) src(%dma_wait3A_631 : memref<64x128xf32, #tpu.memory_space<vmem>>) dst(%dma_wait3A_627 : memref<64x128xf32, #tpu.memory_space<hbm>>)
      tpu.yield
    }) : () -> ()
    %dma_start3A_489 = arith.constant 1 : i32
    %dma_start3A_490 = arith.constant 0 : i32
    %dma_start3A_491 = arith.constant 0 : i32
    %dma_start3A_492 = tpu.memref_slice %arg14[%dma_start3A_489, %dma_start3A_490, %dma_start3A_491] : memref<3x64x128xf32, #tpu.memory_space<vmem>> -> memref<1x64x128xf32, #tpu.memory_space<vmem>>
    %dma_start3A_493 = tpu.memref_squeeze %dma_start3A_492 : memref<1x64x128xf32, #tpu.memory_space<vmem>> -> memref<64x128xf32, #tpu.memory_space<vmem>>
    %dma_start3A_494 = arith.constant 256 : i32
    %dma_start3A_495 = tpu.memref_slice %arg13[%dma_start3A_494] : memref<512xi32, #tpu.memory_space<vmem>> -> memref<64xi32, #tpu.memory_space<vmem>>
    %dma_start3A_496 = arith.constant 0 : i32
    %dma_start3A_497 = arith.constant 0 : i32
    %dma_start3A_498 = tpu.memref_slice %arg3[%dma_start3A_496, %dma_start3A_497] : memref<16384x128xf32, #tpu.memory_space<hbm>> -> memref<16384x128xf32, #tpu.memory_space<hbm>>
    tpu.enqueue_indirect_dma source(%dma_start3A_498 : memref<16384x128xf32, #tpu.memory_space<hbm>>) target(%dma_start3A_493 : memref<64x128xf32, #tpu.memory_space<vmem>>) offsets(%dma_start3A_495 : memref<64xi32, #tpu.memory_space<vmem>>) semaphore(%arg18 : memref<!tpu.dma_semaphore, #tpu.memory_space<semaphore_mem>>)
    %dma_wait3A_499 = arith.constant 2 : i32
    %dma_wait3A_500 = arith.constant 0 : i32
    %dma_wait3A_501 = arith.constant 0 : i32
    %dma_wait3A_502 = tpu.memref_slice %arg14[%dma_wait3A_499, %dma_wait3A_500, %dma_wait3A_501] : memref<3x64x128xf32, #tpu.memory_space<vmem>> -> memref<1x64x128xf32, #tpu.memory_space<vmem>>
    %dma_wait3A_503 = tpu.memref_squeeze %dma_wait3A_502 : memref<1x64x128xf32, #tpu.memory_space<vmem>> -> memref<64x128xf32, #tpu.memory_space<vmem>>
    %dma_wait3A_504 = arith.constant 128 : i32
    %dma_wait3A_505 = tpu.memref_slice %arg13[%dma_wait3A_504] : memref<512xi32, #tpu.memory_space<vmem>> -> memref<64xi32, #tpu.memory_space<vmem>>
    %dma_wait3A_506 = arith.constant 0 : i32
    %dma_wait3A_507 = arith.constant 0 : i32
    %dma_wait3A_508 = tpu.memref_slice %arg3[%dma_wait3A_506, %dma_wait3A_507] : memref<16384x128xf32, #tpu.memory_space<hbm>> -> memref<16384x128xf32, #tpu.memory_space<hbm>>
    tpu.wait_indirect_dma semaphore(%arg15 : memref<!tpu.dma_semaphore, #tpu.memory_space<semaphore_mem>>) src(%dma_wait3A_508 : memref<16384x128xf32, #tpu.memory_space<hbm>>) dst(%dma_wait3A_503 : memref<64x128xf32, #tpu.memory_space<vmem>>)
    %add3A_509 = arith.constant 128 : i32
    %add3A_510 = arith.addi %mul3A_2, %add3A_509 : i32
    %run_scoped3A_511 = arith.constant 2 : i32
    "tpu.region"() ({
      %run_scoped3A_607 = tpu.sem_alloc : memref<!tpu.dma_semaphore, #tpu.memory_space<semaphore_mem>>
      %dma_start3A_608 = arith.constant 0 : i32
      %dma_start3A_609 = arith.constant 0 : i32
      %dma_start3A_610 = tpu.memref_slice %arg14[%run_scoped3A_511, %dma_start3A_608, %dma_start3A_609] : memref<3x64x128xf32, #tpu.memory_space<vmem>> -> memref<1x64x128xf32, #tpu.memory_space<vmem>>
      %dma_start3A_611 = tpu.memref_squeeze %dma_start3A_610 : memref<1x64x128xf32, #tpu.memory_space<vmem>> -> memref<64x128xf32, #tpu.memory_space<vmem>>
      %dma_start3A_612 = arith.constant 0 : i32
      %dma_start3A_613 = tpu.memref_slice %arg4[%add3A_510, %dma_start3A_612] : memref<16384x128xf32, #tpu.memory_space<hbm>> -> memref<64x128xf32, #tpu.memory_space<hbm>>
      %dma_start3A_614 = arith.constant 0 : i32
      %dma_start3A_615 = tpu.memref_slice %arg4[%add3A_510, %dma_start3A_614] : memref<16384x128xf32, #tpu.memory_space<hbm>> -> memref<64x128xf32, #tpu.memory_space<hbm>>
      %dma_start3A_616 = arith.constant 0 : i32
      %dma_start3A_617 = arith.constant 0 : i32
      %dma_start3A_618 = tpu.memref_slice %arg14[%run_scoped3A_511, %dma_start3A_616, %dma_start3A_617] : memref<3x64x128xf32, #tpu.memory_space<vmem>> -> memref<1x64x128xf32, #tpu.memory_space<vmem>>
      %dma_start3A_619 = tpu.memref_squeeze %dma_start3A_618 : memref<1x64x128xf32, #tpu.memory_space<vmem>> -> memref<64x128xf32, #tpu.memory_space<vmem>>
      tpu.enqueue_dma source(%dma_start3A_619 : memref<64x128xf32, #tpu.memory_space<vmem>>) target(%dma_start3A_615 : memref<64x128xf32, #tpu.memory_space<hbm>>) target_semaphore(%run_scoped3A_607 : memref<!tpu.dma_semaphore, #tpu.memory_space<semaphore_mem>>)
      %dma_wait3A_620 = arith.constant 0 : i32
      %dma_wait3A_621 = arith.constant 0 : i32
      %dma_wait3A_622 = tpu.memref_slice %arg14[%run_scoped3A_511, %dma_wait3A_620, %dma_wait3A_621] : memref<3x64x128xf32, #tpu.memory_space<vmem>> -> memref<1x64x128xf32, #tpu.memory_space<vmem>>
      %dma_wait3A_623 = tpu.memref_squeeze %dma_wait3A_622 : memref<1x64x128xf32, #tpu.memory_space<vmem>> -> memref<64x128xf32, #tpu.memory_space<vmem>>
      %dma_wait3A_624 = arith.constant 0 : i32
      %dma_wait3A_625 = tpu.memref_slice %arg4[%add3A_510, %dma_wait3A_624] : memref<16384x128xf32, #tpu.memory_space<hbm>> -> memref<64x128xf32, #tpu.memory_space<hbm>>
      %dma_wait3A_626 = arith.constant 0 : i32
      %dma_wait3A_627 = tpu.memref_slice %arg4[%add3A_510, %dma_wait3A_626] : memref<16384x128xf32, #tpu.memory_space<hbm>> -> memref<64x128xf32, #tpu.memory_space<hbm>>
      %dma_wait3A_628 = arith.constant 0 : i32
      %dma_wait3A_629 = arith.constant 0 : i32
      %dma_wait3A_630 = tpu.memref_slice %arg14[%run_scoped3A_511, %dma_wait3A_628, %dma_wait3A_629] : memref<3x64x128xf32, #tpu.memory_space<vmem>> -> memref<1x64x128xf32, #tpu.memory_space<vmem>>
      %dma_wait3A_631 = tpu.memref_squeeze %dma_wait3A_630 : memref<1x64x128xf32, #tpu.memory_space<vmem>> -> memref<64x128xf32, #tpu.memory_space<vmem>>
      tpu.wait_dma2 semaphore(%run_scoped3A_607 : memref<!tpu.dma_semaphore, #tpu.memory_space<semaphore_mem>>) src(%dma_wait3A_631 : memref<64x128xf32, #tpu.memory_space<vmem>>) dst(%dma_wait3A_627 : memref<64x128xf32, #tpu.memory_space<hbm>>)
      tpu.yield
    }) : () -> ()
    %dma_start3A_512 = arith.constant 2 : i32
    %dma_start3A_513 = arith.constant 0 : i32
    %dma_start3A_514 = arith.constant 0 : i32
    %dma_start3A_515 = tpu.memref_slice %arg14[%dma_start3A_512, %dma_start3A_513, %dma_start3A_514] : memref<3x64x128xf32, #tpu.memory_space<vmem>> -> memref<1x64x128xf32, #tpu.memory_space<vmem>>
    %dma_start3A_516 = tpu.memref_squeeze %dma_start3A_515 : memref<1x64x128xf32, #tpu.memory_space<vmem>> -> memref<64x128xf32, #tpu.memory_space<vmem>>
    %dma_start3A_517 = arith.constant 320 : i32
    %dma_start3A_518 = tpu.memref_slice %arg13[%dma_start3A_517] : memref<512xi32, #tpu.memory_space<vmem>> -> memref<64xi32, #tpu.memory_space<vmem>>
    %dma_start3A_519 = arith.constant 0 : i32
    %dma_start3A_520 = arith.constant 0 : i32
    %dma_start3A_521 = tpu.memref_slice %arg3[%dma_start3A_519, %dma_start3A_520] : memref<16384x128xf32, #tpu.memory_space<hbm>> -> memref<16384x128xf32, #tpu.memory_space<hbm>>
    tpu.enqueue_indirect_dma source(%dma_start3A_521 : memref<16384x128xf32, #tpu.memory_space<hbm>>) target(%dma_start3A_516 : memref<64x128xf32, #tpu.memory_space<vmem>>) offsets(%dma_start3A_518 : memref<64xi32, #tpu.memory_space<vmem>>) semaphore(%arg15 : memref<!tpu.dma_semaphore, #tpu.memory_space<semaphore_mem>>)
    %dma_wait3A_522 = arith.constant 0 : i32
    %dma_wait3A_523 = arith.constant 0 : i32
    %dma_wait3A_524 = arith.constant 0 : i32
    %dma_wait3A_525 = tpu.memref_slice %arg14[%dma_wait3A_522, %dma_wait3A_523, %dma_wait3A_524] : memref<3x64x128xf32, #tpu.memory_space<vmem>> -> memref<1x64x128xf32, #tpu.memory_space<vmem>>
    %dma_wait3A_526 = tpu.memref_squeeze %dma_wait3A_525 : memref<1x64x128xf32, #tpu.memory_space<vmem>> -> memref<64x128xf32, #tpu.memory_space<vmem>>
    %dma_wait3A_527 = arith.constant 192 : i32
    %dma_wait3A_528 = tpu.memref_slice %arg13[%dma_wait3A_527] : memref<512xi32, #tpu.memory_space<vmem>> -> memref<64xi32, #tpu.memory_space<vmem>>
    %dma_wait3A_529 = arith.constant 0 : i32
    %dma_wait3A_530 = arith.constant 0 : i32
    %dma_wait3A_531 = tpu.memref_slice %arg3[%dma_wait3A_529, %dma_wait3A_530] : memref<16384x128xf32, #tpu.memory_space<hbm>> -> memref<16384x128xf32, #tpu.memory_space<hbm>>
    tpu.wait_indirect_dma semaphore(%arg17 : memref<!tpu.dma_semaphore, #tpu.memory_space<semaphore_mem>>) src(%dma_wait3A_531 : memref<16384x128xf32, #tpu.memory_space<hbm>>) dst(%dma_wait3A_526 : memref<64x128xf32, #tpu.memory_space<vmem>>)
    %add3A_532 = arith.constant 192 : i32
    %add3A_533 = arith.addi %mul3A_2, %add3A_532 : i32
    %run_scoped3A_534 = arith.constant 0 : i32
    "tpu.region"() ({
      %run_scoped3A_607 = tpu.sem_alloc : memref<!tpu.dma_semaphore, #tpu.memory_space<semaphore_mem>>
      %dma_start3A_608 = arith.constant 0 : i32
      %dma_start3A_609 = arith.constant 0 : i32
      %dma_start3A_610 = tpu.memref_slice %arg14[%run_scoped3A_534, %dma_start3A_608, %dma_start3A_609] : memref<3x64x128xf32, #tpu.memory_space<vmem>> -> memref<1x64x128xf32, #tpu.memory_space<vmem>>
      %dma_start3A_611 = tpu.memref_squeeze %dma_start3A_610 : memref<1x64x128xf32, #tpu.memory_space<vmem>> -> memref<64x128xf32, #tpu.memory_space<vmem>>
      %dma_start3A_612 = arith.constant 0 : i32
      %dma_start3A_613 = tpu.memref_slice %arg4[%add3A_533, %dma_start3A_612] : memref<16384x128xf32, #tpu.memory_space<hbm>> -> memref<64x128xf32, #tpu.memory_space<hbm>>
      %dma_start3A_614 = arith.constant 0 : i32
      %dma_start3A_615 = tpu.memref_slice %arg4[%add3A_533, %dma_start3A_614] : memref<16384x128xf32, #tpu.memory_space<hbm>> -> memref<64x128xf32, #tpu.memory_space<hbm>>
      %dma_start3A_616 = arith.constant 0 : i32
      %dma_start3A_617 = arith.constant 0 : i32
      %dma_start3A_618 = tpu.memref_slice %arg14[%run_scoped3A_534, %dma_start3A_616, %dma_start3A_617] : memref<3x64x128xf32, #tpu.memory_space<vmem>> -> memref<1x64x128xf32, #tpu.memory_space<vmem>>
      %dma_start3A_619 = tpu.memref_squeeze %dma_start3A_618 : memref<1x64x128xf32, #tpu.memory_space<vmem>> -> memref<64x128xf32, #tpu.memory_space<vmem>>
      tpu.enqueue_dma source(%dma_start3A_619 : memref<64x128xf32, #tpu.memory_space<vmem>>) target(%dma_start3A_615 : memref<64x128xf32, #tpu.memory_space<hbm>>) target_semaphore(%run_scoped3A_607 : memref<!tpu.dma_semaphore, #tpu.memory_space<semaphore_mem>>)
      %dma_wait3A_620 = arith.constant 0 : i32
      %dma_wait3A_621 = arith.constant 0 : i32
      %dma_wait3A_622 = tpu.memref_slice %arg14[%run_scoped3A_534, %dma_wait3A_620, %dma_wait3A_621] : memref<3x64x128xf32, #tpu.memory_space<vmem>> -> memref<1x64x128xf32, #tpu.memory_space<vmem>>
      %dma_wait3A_623 = tpu.memref_squeeze %dma_wait3A_622 : memref<1x64x128xf32, #tpu.memory_space<vmem>> -> memref<64x128xf32, #tpu.memory_space<vmem>>
      %dma_wait3A_624 = arith.constant 0 : i32
      %dma_wait3A_625 = tpu.memref_slice %arg4[%add3A_533, %dma_wait3A_624] : memref<16384x128xf32, #tpu.memory_space<hbm>> -> memref<64x128xf32, #tpu.memory_space<hbm>>
      %dma_wait3A_626 = arith.constant 0 : i32
      %dma_wait3A_627 = tpu.memref_slice %arg4[%add3A_533, %dma_wait3A_626] : memref<16384x128xf32, #tpu.memory_space<hbm>> -> memref<64x128xf32, #tpu.memory_space<hbm>>
      %dma_wait3A_628 = arith.constant 0 : i32
      %dma_wait3A_629 = arith.constant 0 : i32
      %dma_wait3A_630 = tpu.memref_slice %arg14[%run_scoped3A_534, %dma_wait3A_628, %dma_wait3A_629] : memref<3x64x128xf32, #tpu.memory_space<vmem>> -> memref<1x64x128xf32, #tpu.memory_space<vmem>>
      %dma_wait3A_631 = tpu.memref_squeeze %dma_wait3A_630 : memref<1x64x128xf32, #tpu.memory_space<vmem>> -> memref<64x128xf32, #tpu.memory_space<vmem>>
      tpu.wait_dma2 semaphore(%run_scoped3A_607 : memref<!tpu.dma_semaphore, #tpu.memory_space<semaphore_mem>>) src(%dma_wait3A_631 : memref<64x128xf32, #tpu.memory_space<vmem>>) dst(%dma_wait3A_627 : memref<64x128xf32, #tpu.memory_space<hbm>>)
      tpu.yield
    }) : () -> ()
    %dma_start3A_535 = arith.constant 0 : i32
    %dma_start3A_536 = arith.constant 0 : i32
    %dma_start3A_537 = arith.constant 0 : i32
    %dma_start3A_538 = tpu.memref_slice %arg14[%dma_start3A_535, %dma_start3A_536, %dma_start3A_537] : memref<3x64x128xf32, #tpu.memory_space<vmem>> -> memref<1x64x128xf32, #tpu.memory_space<vmem>>
    %dma_start3A_539 = tpu.memref_squeeze %dma_start3A_538 : memref<1x64x128xf32, #tpu.memory_space<vmem>> -> memref<64x128xf32, #tpu.memory_space<vmem>>
    %dma_start3A_540 = arith.constant 384 : i32
    %dma_start3A_541 = tpu.memref_slice %arg13[%dma_start3A_540] : memref<512xi32, #tpu.memory_space<vmem>> -> memref<64xi32, #tpu.memory_space<vmem>>
    %dma_start3A_542 = arith.constant 0 : i32
    %dma_start3A_543 = arith.constant 0 : i32
    %dma_start3A_544 = tpu.memref_slice %arg3[%dma_start3A_542, %dma_start3A_543] : memref<16384x128xf32, #tpu.memory_space<hbm>> -> memref<16384x128xf32, #tpu.memory_space<hbm>>
    tpu.enqueue_indirect_dma source(%dma_start3A_544 : memref<16384x128xf32, #tpu.memory_space<hbm>>) target(%dma_start3A_539 : memref<64x128xf32, #tpu.memory_space<vmem>>) offsets(%dma_start3A_541 : memref<64xi32, #tpu.memory_space<vmem>>) semaphore(%arg17 : memref<!tpu.dma_semaphore, #tpu.memory_space<semaphore_mem>>)
    %dma_wait3A_545 = arith.constant 1 : i32
    %dma_wait3A_546 = arith.constant 0 : i32
    %dma_wait3A_547 = arith.constant 0 : i32
    %dma_wait3A_548 = tpu.memref_slice %arg14[%dma_wait3A_545, %dma_wait3A_546, %dma_wait3A_547] : memref<3x64x128xf32, #tpu.memory_space<vmem>> -> memref<1x64x128xf32, #tpu.memory_space<vmem>>
    %dma_wait3A_549 = tpu.memref_squeeze %dma_wait3A_548 : memref<1x64x128xf32, #tpu.memory_space<vmem>> -> memref<64x128xf32, #tpu.memory_space<vmem>>
    %dma_wait3A_550 = arith.constant 256 : i32
    %dma_wait3A_551 = tpu.memref_slice %arg13[%dma_wait3A_550] : memref<512xi32, #tpu.memory_space<vmem>> -> memref<64xi32, #tpu.memory_space<vmem>>
    %dma_wait3A_552 = arith.constant 0 : i32
    %dma_wait3A_553 = arith.constant 0 : i32
    %dma_wait3A_554 = tpu.memref_slice %arg3[%dma_wait3A_552, %dma_wait3A_553] : memref<16384x128xf32, #tpu.memory_space<hbm>> -> memref<16384x128xf32, #tpu.memory_space<hbm>>
    tpu.wait_indirect_dma semaphore(%arg18 : memref<!tpu.dma_semaphore, #tpu.memory_space<semaphore_mem>>) src(%dma_wait3A_554 : memref<16384x128xf32, #tpu.memory_space<hbm>>) dst(%dma_wait3A_549 : memref<64x128xf32, #tpu.memory_space<vmem>>)
    %add3A_555 = arith.constant 256 : i32
    %add3A_556 = arith.addi %mul3A_2, %add3A_555 : i32
    %run_scoped3A_557 = arith.constant 1 : i32
    "tpu.region"() ({
      %run_scoped3A_607 = tpu.sem_alloc : memref<!tpu.dma_semaphore, #tpu.memory_space<semaphore_mem>>
      %dma_start3A_608 = arith.constant 0 : i32
      %dma_start3A_609 = arith.constant 0 : i32
      %dma_start3A_610 = tpu.memref_slice %arg14[%run_scoped3A_557, %dma_start3A_608, %dma_start3A_609] : memref<3x64x128xf32, #tpu.memory_space<vmem>> -> memref<1x64x128xf32, #tpu.memory_space<vmem>>
      %dma_start3A_611 = tpu.memref_squeeze %dma_start3A_610 : memref<1x64x128xf32, #tpu.memory_space<vmem>> -> memref<64x128xf32, #tpu.memory_space<vmem>>
      %dma_start3A_612 = arith.constant 0 : i32
      %dma_start3A_613 = tpu.memref_slice %arg4[%add3A_556, %dma_start3A_612] : memref<16384x128xf32, #tpu.memory_space<hbm>> -> memref<64x128xf32, #tpu.memory_space<hbm>>
      %dma_start3A_614 = arith.constant 0 : i32
      %dma_start3A_615 = tpu.memref_slice %arg4[%add3A_556, %dma_start3A_614] : memref<16384x128xf32, #tpu.memory_space<hbm>> -> memref<64x128xf32, #tpu.memory_space<hbm>>
      %dma_start3A_616 = arith.constant 0 : i32
      %dma_start3A_617 = arith.constant 0 : i32
      %dma_start3A_618 = tpu.memref_slice %arg14[%run_scoped3A_557, %dma_start3A_616, %dma_start3A_617] : memref<3x64x128xf32, #tpu.memory_space<vmem>> -> memref<1x64x128xf32, #tpu.memory_space<vmem>>
      %dma_start3A_619 = tpu.memref_squeeze %dma_start3A_618 : memref<1x64x128xf32, #tpu.memory_space<vmem>> -> memref<64x128xf32, #tpu.memory_space<vmem>>
      tpu.enqueue_dma source(%dma_start3A_619 : memref<64x128xf32, #tpu.memory_space<vmem>>) target(%dma_start3A_615 : memref<64x128xf32, #tpu.memory_space<hbm>>) target_semaphore(%run_scoped3A_607 : memref<!tpu.dma_semaphore, #tpu.memory_space<semaphore_mem>>)
      %dma_wait3A_620 = arith.constant 0 : i32
      %dma_wait3A_621 = arith.constant 0 : i32
      %dma_wait3A_622 = tpu.memref_slice %arg14[%run_scoped3A_557, %dma_wait3A_620, %dma_wait3A_621] : memref<3x64x128xf32, #tpu.memory_space<vmem>> -> memref<1x64x128xf32, #tpu.memory_space<vmem>>
      %dma_wait3A_623 = tpu.memref_squeeze %dma_wait3A_622 : memref<1x64x128xf32, #tpu.memory_space<vmem>> -> memref<64x128xf32, #tpu.memory_space<vmem>>
      %dma_wait3A_624 = arith.constant 0 : i32
      %dma_wait3A_625 = tpu.memref_slice %arg4[%add3A_556, %dma_wait3A_624] : memref<16384x128xf32, #tpu.memory_space<hbm>> -> memref<64x128xf32, #tpu.memory_space<hbm>>
      %dma_wait3A_626 = arith.constant 0 : i32
      %dma_wait3A_627 = tpu.memref_slice %arg4[%add3A_556, %dma_wait3A_626] : memref<16384x128xf32, #tpu.memory_space<hbm>> -> memref<64x128xf32, #tpu.memory_space<hbm>>
      %dma_wait3A_628 = arith.constant 0 : i32
      %dma_wait3A_629 = arith.constant 0 : i32
      %dma_wait3A_630 = tpu.memref_slice %arg14[%run_scoped3A_557, %dma_wait3A_628, %dma_wait3A_629] : memref<3x64x128xf32, #tpu.memory_space<vmem>> -> memref<1x64x128xf32, #tpu.memory_space<vmem>>
      %dma_wait3A_631 = tpu.memref_squeeze %dma_wait3A_630 : memref<1x64x128xf32, #tpu.memory_space<vmem>> -> memref<64x128xf32, #tpu.memory_space<vmem>>
      tpu.wait_dma2 semaphore(%run_scoped3A_607 : memref<!tpu.dma_semaphore, #tpu.memory_space<semaphore_mem>>) src(%dma_wait3A_631 : memref<64x128xf32, #tpu.memory_space<vmem>>) dst(%dma_wait3A_627 : memref<64x128xf32, #tpu.memory_space<hbm>>)
      tpu.yield
    }) : () -> ()
    %dma_start3A_558 = arith.constant 1 : i32
    %dma_start3A_559 = arith.constant 0 : i32
    %dma_start3A_560 = arith.constant 0 : i32
    %dma_start3A_561 = tpu.memref_slice %arg14[%dma_start3A_558, %dma_start3A_559, %dma_start3A_560] : memref<3x64x128xf32, #tpu.memory_space<vmem>> -> memref<1x64x128xf32, #tpu.memory_space<vmem>>
    %dma_start3A_562 = tpu.memref_squeeze %dma_start3A_561 : memref<1x64x128xf32, #tpu.memory_space<vmem>> -> memref<64x128xf32, #tpu.memory_space<vmem>>
    %dma_start3A_563 = arith.constant 448 : i32
    %dma_start3A_564 = tpu.memref_slice %arg13[%dma_start3A_563] : memref<512xi32, #tpu.memory_space<vmem>> -> memref<64xi32, #tpu.memory_space<vmem>>
    %dma_start3A_565 = arith.constant 0 : i32
    %dma_start3A_566 = arith.constant 0 : i32
    %dma_start3A_567 = tpu.memref_slice %arg3[%dma_start3A_565, %dma_start3A_566] : memref<16384x128xf32, #tpu.memory_space<hbm>> -> memref<16384x128xf32, #tpu.memory_space<hbm>>
    tpu.enqueue_indirect_dma source(%dma_start3A_567 : memref<16384x128xf32, #tpu.memory_space<hbm>>) target(%dma_start3A_562 : memref<64x128xf32, #tpu.memory_space<vmem>>) offsets(%dma_start3A_564 : memref<64xi32, #tpu.memory_space<vmem>>) semaphore(%arg18 : memref<!tpu.dma_semaphore, #tpu.memory_space<semaphore_mem>>)
    %dma_wait3A_568 = arith.constant 2 : i32
    %dma_wait3A_569 = arith.constant 0 : i32
    %dma_wait3A_570 = arith.constant 0 : i32
    %dma_wait3A_571 = tpu.memref_slice %arg14[%dma_wait3A_568, %dma_wait3A_569, %dma_wait3A_570] : memref<3x64x128xf32, #tpu.memory_space<vmem>> -> memref<1x64x128xf32, #tpu.memory_space<vmem>>
    %dma_wait3A_572 = tpu.memref_squeeze %dma_wait3A_571 : memref<1x64x128xf32, #tpu.memory_space<vmem>> -> memref<64x128xf32, #tpu.memory_space<vmem>>
    %dma_wait3A_573 = arith.constant 320 : i32
    %dma_wait3A_574 = tpu.memref_slice %arg13[%dma_wait3A_573] : memref<512xi32, #tpu.memory_space<vmem>> -> memref<64xi32, #tpu.memory_space<vmem>>
    %dma_wait3A_575 = arith.constant 0 : i32
    %dma_wait3A_576 = arith.constant 0 : i32
    %dma_wait3A_577 = tpu.memref_slice %arg3[%dma_wait3A_575, %dma_wait3A_576] : memref<16384x128xf32, #tpu.memory_space<hbm>> -> memref<16384x128xf32, #tpu.memory_space<hbm>>
    tpu.wait_indirect_dma semaphore(%arg15 : memref<!tpu.dma_semaphore, #tpu.memory_space<semaphore_mem>>) src(%dma_wait3A_577 : memref<16384x128xf32, #tpu.memory_space<hbm>>) dst(%dma_wait3A_572 : memref<64x128xf32, #tpu.memory_space<vmem>>)
    %add3A_578 = arith.constant 320 : i32
    %add3A_579 = arith.addi %mul3A_2, %add3A_578 : i32
    %run_scoped3A_580 = arith.constant 2 : i32
    "tpu.region"() ({
      %run_scoped3A_607 = tpu.sem_alloc : memref<!tpu.dma_semaphore, #tpu.memory_space<semaphore_mem>>
      %dma_start3A_608 = arith.constant 0 : i32
      %dma_start3A_609 = arith.constant 0 : i32
      %dma_start3A_610 = tpu.memref_slice %arg14[%run_scoped3A_580, %dma_start3A_608, %dma_start3A_609] : memref<3x64x128xf32, #tpu.memory_space<vmem>> -> memref<1x64x128xf32, #tpu.memory_space<vmem>>
      %dma_start3A_611 = tpu.memref_squeeze %dma_start3A_610 : memref<1x64x128xf32, #tpu.memory_space<vmem>> -> memref<64x128xf32, #tpu.memory_space<vmem>>
      %dma_start3A_612 = arith.constant 0 : i32
      %dma_start3A_613 = tpu.memref_slice %arg4[%add3A_579, %dma_start3A_612] : memref<16384x128xf32, #tpu.memory_space<hbm>> -> memref<64x128xf32, #tpu.memory_space<hbm>>
      %dma_start3A_614 = arith.constant 0 : i32
      %dma_start3A_615 = tpu.memref_slice %arg4[%add3A_579, %dma_start3A_614] : memref<16384x128xf32, #tpu.memory_space<hbm>> -> memref<64x128xf32, #tpu.memory_space<hbm>>
      %dma_start3A_616 = arith.constant 0 : i32
      %dma_start3A_617 = arith.constant 0 : i32
      %dma_start3A_618 = tpu.memref_slice %arg14[%run_scoped3A_580, %dma_start3A_616, %dma_start3A_617] : memref<3x64x128xf32, #tpu.memory_space<vmem>> -> memref<1x64x128xf32, #tpu.memory_space<vmem>>
      %dma_start3A_619 = tpu.memref_squeeze %dma_start3A_618 : memref<1x64x128xf32, #tpu.memory_space<vmem>> -> memref<64x128xf32, #tpu.memory_space<vmem>>
      tpu.enqueue_dma source(%dma_start3A_619 : memref<64x128xf32, #tpu.memory_space<vmem>>) target(%dma_start3A_615 : memref<64x128xf32, #tpu.memory_space<hbm>>) target_semaphore(%run_scoped3A_607 : memref<!tpu.dma_semaphore, #tpu.memory_space<semaphore_mem>>)
      %dma_wait3A_620 = arith.constant 0 : i32
      %dma_wait3A_621 = arith.constant 0 : i32
      %dma_wait3A_622 = tpu.memref_slice %arg14[%run_scoped3A_580, %dma_wait3A_620, %dma_wait3A_621] : memref<3x64x128xf32, #tpu.memory_space<vmem>> -> memref<1x64x128xf32, #tpu.memory_space<vmem>>
      %dma_wait3A_623 = tpu.memref_squeeze %dma_wait3A_622 : memref<1x64x128xf32, #tpu.memory_space<vmem>> -> memref<64x128xf32, #tpu.memory_space<vmem>>
      %dma_wait3A_624 = arith.constant 0 : i32
      %dma_wait3A_625 = tpu.memref_slice %arg4[%add3A_579, %dma_wait3A_624] : memref<16384x128xf32, #tpu.memory_space<hbm>> -> memref<64x128xf32, #tpu.memory_space<hbm>>
      %dma_wait3A_626 = arith.constant 0 : i32
      %dma_wait3A_627 = tpu.memref_slice %arg4[%add3A_579, %dma_wait3A_626] : memref<16384x128xf32, #tpu.memory_space<hbm>> -> memref<64x128xf32, #tpu.memory_space<hbm>>
      %dma_wait3A_628 = arith.constant 0 : i32
      %dma_wait3A_629 = arith.constant 0 : i32
      %dma_wait3A_630 = tpu.memref_slice %arg14[%run_scoped3A_580, %dma_wait3A_628, %dma_wait3A_629] : memref<3x64x128xf32, #tpu.memory_space<vmem>> -> memref<1x64x128xf32, #tpu.memory_space<vmem>>
      %dma_wait3A_631 = tpu.memref_squeeze %dma_wait3A_630 : memref<1x64x128xf32, #tpu.memory_space<vmem>> -> memref<64x128xf32, #tpu.memory_space<vmem>>
      tpu.wait_dma2 semaphore(%run_scoped3A_607 : memref<!tpu.dma_semaphore, #tpu.memory_space<semaphore_mem>>) src(%dma_wait3A_631 : memref<64x128xf32, #tpu.memory_space<vmem>>) dst(%dma_wait3A_627 : memref<64x128xf32, #tpu.memory_space<hbm>>)
      tpu.yield
    }) : () -> ()
    %dma_wait3A_581 = arith.constant 0 : i32
    %dma_wait3A_582 = arith.constant 0 : i32
    %dma_wait3A_583 = arith.constant 0 : i32
    %dma_wait3A_584 = tpu.memref_slice %arg14[%dma_wait3A_581, %dma_wait3A_582, %dma_wait3A_583] : memref<3x64x128xf32, #tpu.memory_space<vmem>> -> memref<1x64x128xf32, #tpu.memory_space<vmem>>
    %dma_wait3A_585 = tpu.memref_squeeze %dma_wait3A_584 : memref<1x64x128xf32, #tpu.memory_space<vmem>> -> memref<64x128xf32, #tpu.memory_space<vmem>>
    %dma_wait3A_586 = arith.constant 384 : i32
    %dma_wait3A_587 = tpu.memref_slice %arg13[%dma_wait3A_586] : memref<512xi32, #tpu.memory_space<vmem>> -> memref<64xi32, #tpu.memory_space<vmem>>
    %dma_wait3A_588 = arith.constant 0 : i32
    %dma_wait3A_589 = arith.constant 0 : i32
    %dma_wait3A_590 = tpu.memref_slice %arg3[%dma_wait3A_588, %dma_wait3A_589] : memref<16384x128xf32, #tpu.memory_space<hbm>> -> memref<16384x128xf32, #tpu.memory_space<hbm>>
    tpu.wait_indirect_dma semaphore(%arg17 : memref<!tpu.dma_semaphore, #tpu.memory_space<semaphore_mem>>) src(%dma_wait3A_590 : memref<16384x128xf32, #tpu.memory_space<hbm>>) dst(%dma_wait3A_585 : memref<64x128xf32, #tpu.memory_space<vmem>>)
    %add3A_591 = arith.constant 384 : i32
    %add3A_592 = arith.addi %mul3A_2, %add3A_591 : i32
    %run_scoped3A_593 = arith.constant 0 : i32
    "tpu.region"() ({
      %run_scoped3A_607 = tpu.sem_alloc : memref<!tpu.dma_semaphore, #tpu.memory_space<semaphore_mem>>
      %dma_start3A_608 = arith.constant 0 : i32
      %dma_start3A_609 = arith.constant 0 : i32
      %dma_start3A_610 = tpu.memref_slice %arg14[%run_scoped3A_593, %dma_start3A_608, %dma_start3A_609] : memref<3x64x128xf32, #tpu.memory_space<vmem>> -> memref<1x64x128xf32, #tpu.memory_space<vmem>>
      %dma_start3A_611 = tpu.memref_squeeze %dma_start3A_610 : memref<1x64x128xf32, #tpu.memory_space<vmem>> -> memref<64x128xf32, #tpu.memory_space<vmem>>
      %dma_start3A_612 = arith.constant 0 : i32
      %dma_start3A_613 = tpu.memref_slice %arg4[%add3A_592, %dma_start3A_612] : memref<16384x128xf32, #tpu.memory_space<hbm>> -> memref<64x128xf32, #tpu.memory_space<hbm>>
      %dma_start3A_614 = arith.constant 0 : i32
      %dma_start3A_615 = tpu.memref_slice %arg4[%add3A_592, %dma_start3A_614] : memref<16384x128xf32, #tpu.memory_space<hbm>> -> memref<64x128xf32, #tpu.memory_space<hbm>>
      %dma_start3A_616 = arith.constant 0 : i32
      %dma_start3A_617 = arith.constant 0 : i32
      %dma_start3A_618 = tpu.memref_slice %arg14[%run_scoped3A_593, %dma_start3A_616, %dma_start3A_617] : memref<3x64x128xf32, #tpu.memory_space<vmem>> -> memref<1x64x128xf32, #tpu.memory_space<vmem>>
      %dma_start3A_619 = tpu.memref_squeeze %dma_start3A_618 : memref<1x64x128xf32, #tpu.memory_space<vmem>> -> memref<64x128xf32, #tpu.memory_space<vmem>>
      tpu.enqueue_dma source(%dma_start3A_619 : memref<64x128xf32, #tpu.memory_space<vmem>>) target(%dma_start3A_615 : memref<64x128xf32, #tpu.memory_space<hbm>>) target_semaphore(%run_scoped3A_607 : memref<!tpu.dma_semaphore, #tpu.memory_space<semaphore_mem>>)
      %dma_wait3A_620 = arith.constant 0 : i32
      %dma_wait3A_621 = arith.constant 0 : i32
      %dma_wait3A_622 = tpu.memref_slice %arg14[%run_scoped3A_593, %dma_wait3A_620, %dma_wait3A_621] : memref<3x64x128xf32, #tpu.memory_space<vmem>> -> memref<1x64x128xf32, #tpu.memory_space<vmem>>
      %dma_wait3A_623 = tpu.memref_squeeze %dma_wait3A_622 : memref<1x64x128xf32, #tpu.memory_space<vmem>> -> memref<64x128xf32, #tpu.memory_space<vmem>>
      %dma_wait3A_624 = arith.constant 0 : i32
      %dma_wait3A_625 = tpu.memref_slice %arg4[%add3A_592, %dma_wait3A_624] : memref<16384x128xf32, #tpu.memory_space<hbm>> -> memref<64x128xf32, #tpu.memory_space<hbm>>
      %dma_wait3A_626 = arith.constant 0 : i32
      %dma_wait3A_627 = tpu.memref_slice %arg4[%add3A_592, %dma_wait3A_626] : memref<16384x128xf32, #tpu.memory_space<hbm>> -> memref<64x128xf32, #tpu.memory_space<hbm>>
      %dma_wait3A_628 = arith.constant 0 : i32
      %dma_wait3A_629 = arith.constant 0 : i32
      %dma_wait3A_630 = tpu.memref_slice %arg14[%run_scoped3A_593, %dma_wait3A_628, %dma_wait3A_629] : memref<3x64x128xf32, #tpu.memory_space<vmem>> -> memref<1x64x128xf32, #tpu.memory_space<vmem>>
      %dma_wait3A_631 = tpu.memref_squeeze %dma_wait3A_630 : memref<1x64x128xf32, #tpu.memory_space<vmem>> -> memref<64x128xf32, #tpu.memory_space<vmem>>
      tpu.wait_dma2 semaphore(%run_scoped3A_607 : memref<!tpu.dma_semaphore, #tpu.memory_space<semaphore_mem>>) src(%dma_wait3A_631 : memref<64x128xf32, #tpu.memory_space<vmem>>) dst(%dma_wait3A_627 : memref<64x128xf32, #tpu.memory_space<hbm>>)
      tpu.yield
    }) : () -> ()
    %dma_wait3A_594 = arith.constant 1 : i32
    %dma_wait3A_595 = arith.constant 0 : i32
    %dma_wait3A_596 = arith.constant 0 : i32
    %dma_wait3A_597 = tpu.memref_slice %arg14[%dma_wait3A_594, %dma_wait3A_595, %dma_wait3A_596] : memref<3x64x128xf32, #tpu.memory_space<vmem>> -> memref<1x64x128xf32, #tpu.memory_space<vmem>>
    %dma_wait3A_598 = tpu.memref_squeeze %dma_wait3A_597 : memref<1x64x128xf32, #tpu.memory_space<vmem>> -> memref<64x128xf32, #tpu.memory_space<vmem>>
    %dma_wait3A_599 = arith.constant 448 : i32
    %dma_wait3A_600 = tpu.memref_slice %arg13[%dma_wait3A_599] : memref<512xi32, #tpu.memory_space<vmem>> -> memref<64xi32, #tpu.memory_space<vmem>>
    %dma_wait3A_601 = arith.constant 0 : i32
    %dma_wait3A_602 = arith.constant 0 : i32
    %dma_wait3A_603 = tpu.memref_slice %arg3[%dma_wait3A_601, %dma_wait3A_602] : memref<16384x128xf32, #tpu.memory_space<hbm>> -> memref<16384x128xf32, #tpu.memory_space<hbm>>
    tpu.wait_indirect_dma semaphore(%arg18 : memref<!tpu.dma_semaphore, #tpu.memory_space<semaphore_mem>>) src(%dma_wait3A_603 : memref<16384x128xf32, #tpu.memory_space<hbm>>) dst(%dma_wait3A_598 : memref<64x128xf32, #tpu.memory_space<vmem>>)
    %add3A_604 = arith.constant 448 : i32
    %add3A_605 = arith.addi %mul3A_2, %add3A_604 : i32
    %run_scoped3A_606 = arith.constant 1 : i32
    "tpu.region"() ({
      %run_scoped3A_607 = tpu.sem_alloc : memref<!tpu.dma_semaphore, #tpu.memory_space<semaphore_mem>>
      %dma_start3A_608 = arith.constant 0 : i32
      %dma_start3A_609 = arith.constant 0 : i32
      %dma_start3A_610 = tpu.memref_slice %arg14[%run_scoped3A_606, %dma_start3A_608, %dma_start3A_609] : memref<3x64x128xf32, #tpu.memory_space<vmem>> -> memref<1x64x128xf32, #tpu.memory_space<vmem>>
      %dma_start3A_611 = tpu.memref_squeeze %dma_start3A_610 : memref<1x64x128xf32, #tpu.memory_space<vmem>> -> memref<64x128xf32, #tpu.memory_space<vmem>>
      %dma_start3A_612 = arith.constant 0 : i32
      %dma_start3A_613 = tpu.memref_slice %arg4[%add3A_605, %dma_start3A_612] : memref<16384x128xf32, #tpu.memory_space<hbm>> -> memref<64x128xf32, #tpu.memory_space<hbm>>
      %dma_start3A_614 = arith.constant 0 : i32
      %dma_start3A_615 = tpu.memref_slice %arg4[%add3A_605, %dma_start3A_614] : memref<16384x128xf32, #tpu.memory_space<hbm>> -> memref<64x128xf32, #tpu.memory_space<hbm>>
      %dma_start3A_616 = arith.constant 0 : i32
      %dma_start3A_617 = arith.constant 0 : i32
      %dma_start3A_618 = tpu.memref_slice %arg14[%run_scoped3A_606, %dma_start3A_616, %dma_start3A_617] : memref<3x64x128xf32, #tpu.memory_space<vmem>> -> memref<1x64x128xf32, #tpu.memory_space<vmem>>
      %dma_start3A_619 = tpu.memref_squeeze %dma_start3A_618 : memref<1x64x128xf32, #tpu.memory_space<vmem>> -> memref<64x128xf32, #tpu.memory_space<vmem>>
      tpu.enqueue_dma source(%dma_start3A_619 : memref<64x128xf32, #tpu.memory_space<vmem>>) target(%dma_start3A_615 : memref<64x128xf32, #tpu.memory_space<hbm>>) target_semaphore(%run_scoped3A_607 : memref<!tpu.dma_semaphore, #tpu.memory_space<semaphore_mem>>)
      %dma_wait3A_620 = arith.constant 0 : i32
      %dma_wait3A_621 = arith.constant 0 : i32
      %dma_wait3A_622 = tpu.memref_slice %arg14[%run_scoped3A_606, %dma_wait3A_620, %dma_wait3A_621] : memref<3x64x128xf32, #tpu.memory_space<vmem>> -> memref<1x64x128xf32, #tpu.memory_space<vmem>>
      %dma_wait3A_623 = tpu.memref_squeeze %dma_wait3A_622 : memref<1x64x128xf32, #tpu.memory_space<vmem>> -> memref<64x128xf32, #tpu.memory_space<vmem>>
      %dma_wait3A_624 = arith.constant 0 : i32
      %dma_wait3A_625 = tpu.memref_slice %arg4[%add3A_605, %dma_wait3A_624] : memref<16384x128xf32, #tpu.memory_space<hbm>> -> memref<64x128xf32, #tpu.memory_space<hbm>>
      %dma_wait3A_626 = arith.constant 0 : i32
      %dma_wait3A_627 = tpu.memref_slice %arg4[%add3A_605, %dma_wait3A_626] : memref<16384x128xf32, #tpu.memory_space<hbm>> -> memref<64x128xf32, #tpu.memory_space<hbm>>
      %dma_wait3A_628 = arith.constant 0 : i32
      %dma_wait3A_629 = arith.constant 0 : i32
      %dma_wait3A_630 = tpu.memref_slice %arg14[%run_scoped3A_606, %dma_wait3A_628, %dma_wait3A_629] : memref<3x64x128xf32, #tpu.memory_space<vmem>> -> memref<1x64x128xf32, #tpu.memory_space<vmem>>
      %dma_wait3A_631 = tpu.memref_squeeze %dma_wait3A_630 : memref<1x64x128xf32, #tpu.memory_space<vmem>> -> memref<64x128xf32, #tpu.memory_space<vmem>>
      tpu.wait_dma2 semaphore(%run_scoped3A_607 : memref<!tpu.dma_semaphore, #tpu.memory_space<semaphore_mem>>) src(%dma_wait3A_631 : memref<64x128xf32, #tpu.memory_space<vmem>>) dst(%dma_wait3A_627 : memref<64x128xf32, #tpu.memory_space<hbm>>)
      tpu.yield
    }) : () -> ()
    return
  }
}

</mosaic_0001>

<sc_bundles>
// kernel: kernel.3.cloned.1.call-start
scs
__scs_entry_jumppad:
0x0: {  	(pc) =	sbr.rel $0x88, $3  }
0x1: {  	(tag) =	ssettag $0x0;
	lr =	simm.s32 $0x1  }
0x2: {  	[smem:$0x3F9F] =	sst lr;
	_ =	strace $0xD0000000  }
0x3: {  	_ = 	snop  }
0x4: {  	_ = 	snop  }
0x5: {  	_ = 	snop  }
0x6: {  	_ = 	snop  }
0x7: {  	_ = 	snop  }
__scs_overlays_trampoline_lowered:
0x8: {  	[smem:$0x3FAE] =	sst s0  }
0x9: {  	[smem:$0x3FAF] =	sst s1  }
0xa: {  	[smem:$0x3FB0] =	sst s2  }
0xb: {  	[smem:$0x3FB1] =	sst s3  }
0xc: {  	[smem:$0x3FB2] =	sst s4  }
0xd: {  	[smem:$0x3FB3] =	sst s5  }
0xe: {  	[smem:$0x3FB4] =	sst s6  }
0xf: {  	[smem:$0x3FB5] =	sst s7  }
0x10: {  	[smem:$0x3FB6] =	sst s8  }
0x11: {  	[smem:$0x3FB7] =	sst s9;
	s0 =	simm.s32 @!p0 $0x0  }
0x12: {  	s1 =	sld [smem:$0x3F9D];
	s0 =	simm.s32 @p0 $0x1  }
0x13: {  	[smem:$0x3FB8] =	sst s0;
	s0 =	simm.s32 @!p1 $0x0  }
0x14: {  	s2 =	sld [smem:$0x3F9C];
	s0 =	simm.s32 @p1 $0x1  }
0x15: {  	[smem:$0x3FB9] =	sst s0;
	s0 =	simm.s32 @!p2 $0x0  }
0x16: {  	s3 =	sld [smem:$0x3FDB];
	s0 =	simm.s32 @p2 $0x1  }
0x17: {  	s4 =	simm.s32 $0x1BF5;
	[smem:$0x3FBB] =	sst s0  }
0x18: {  	s0 =	sld [smem:$0x3F9E];
	_ =	swait.ge [sflag:s4], $0x0  }
0x19: {  	s7 =	sld [smem:$0x3F9F]  }
0x1a: {  	s8 =	sadd.s32 $0xFFFFE003, lr  }
0x1b: {  	s9 =	sadd.s32 $0xFFFFFEF7, lr;
	s5 =	simm.s32 $0xFFFFFFFF;
	p2 =	slt.u32 s8, $0xFFFFF086  }
0x1c: {  	p1 =	slt.u32 s9, $0xF7A;
	s5 =	simm.s32 @!p2 $0x0  }
0x1d: {  	s5 =	simm.s32 @p1 $0x1;
	p0 =	seq.s32 s7, s2  }
0x1e: {  	s7 =	smul.u32 @!p0 $0xF7A, s2;
	p2 =	seq.s32 @!p0 s5, $0x0  }
0x1f: {  	s9 =	smul.u32 $0xF7A, s1;
	s8 =	simm.s32 @!p0 $0x1BF5;
	p2 =	por !p2, p0  }
0x20: {  	[sflag:s8] =	ssyncset.s32 @!p0 $0xFFFFF086;
	s6 =	sadd.s32 @!p0 s3, s7;
	s7 =	simm.s32 @!p0 $0x108  }
0x21: {  	s3 =	sadd.s32 s3, s9;
	s6 =	sadd.s32 @!p0 $0x88, s6;
	s7 =	simm.s32 @p2 $0x1082  }
0x22: {  	[simem:s7], [sflag:s8] =	dma.local @!p0 [hbm:s6], $0xF7A  }
0x23: {  	s9 =	sor.u32 $0xD0000000, s2;
	s6 =	simm.s32 $0x108;
	_ =	swait.ge @!p0 [sflag:s8], $0x0  }
0x24: {  	s3 =	sadd.s32 $0x88, s3;
	s6 =	simm.s32 @!p1 $0x1082;
	[sflag:s4] =	ssyncset.s32 $0xFFFFF086  }
0x25: {  	[simem:s6], [sflag:s4] =	dma.local [hbm:s3], $0xF7A  }
0x26: {  	[smem:$0x3F9F] =	sst s1;
	(tag) =	ssettag s2;
	_ =	strace s9  }
0x27: {  	s1 =	sld [smem:$0x3FAF]  }
0x28: {  	s2 =	sld [smem:$0x3FB0]  }
0x29: {  	s4 =	sld [smem:$0x3FB2]  }
0x2a: {  	p0 =	seq.s32 s5, $0x0;
	s5 =	sld [smem:$0x3FB3]  }
0x2b: {  	s6 =	sld [smem:$0x3FB4]  }
0x2c: {  	s7 =	sld [smem:$0x3FB5]  }
0x2d: {  	s3 =	simm.s32 $0x108;
	s8 =	sld [smem:$0x3FB6]  }
0x2e: {  	s3 =	simm.s32 @!p0 $0x1082;
	s9 =	sld [smem:$0x3FB7]  }
0x2f: {  	lr =	sadd.s32 s0, s3;
	s0 =	sld [smem:$0x3FAE]  }
0x30: {  	s3 =	sld [smem:$0x3FB1]  }
0x31: {  	[smem:$0x3FBA] =	sst s10  }
0x32: {  	s10 =	sld [smem:$0x3FB8];
	_ =	sdelay $0x3  }
0x33: {  	p0 =	seq.s32 s10, $0x1;
	s10 =	sld [smem:$0x3FBA];
	_ =	sdelay $0x3  }
0x34: {  	[smem:$0x3FBA] =	sst s10  }
0x35: {  	s10 =	sld [smem:$0x3FB9];
	_ =	sdelay $0x3  }
0x36: {  	p1 =	seq.s32 s10, $0x1;
	s10 =	sld [smem:$0x3FBA];
	_ =	sdelay $0x3  }
0x37: {  	[smem:$0x3FBA] =	sst s10  }
0x38: {  	s10 =	sld [smem:$0x3FBB]  }
0x39: {  	_ = 	snop;
	(pc) =	sbr.ind lr, $3  }
0x3a: {  	_ = 	snop  }
0x3b: {  	_ = 	snop  }
0x3c: {  	p2 =	seq.s32 s10, $0x1;
	s10 =	sld [smem:$0x3FBA]  }
0x3d: {  	_ =	shalt  }
0x3e: {  	_ =	shalt  }
0x3f: {  	_ =	shalt  }
0x40: {  	_ =	shalt  }
0x41: {  	_ =	shalt  }
0x42: {  	_ =	shalt  }
0x43: {  	_ =	shalt  }
0x44: {  	_ =	shalt  }
0x45: {  	_ =	shalt  }
0x46: {  	_ =	shalt  }
0x47: {  	_ =	shalt  }
0x48: {  	_ =	shalt  }
0x49: {  	_ =	shalt  }
0x4a: {  	_ =	shalt  }
0x4b: {  	_ =	shalt  }
0x4c: {  	_ =	shalt  }
0x4d: {  	_ =	shalt  }
0x4e: {  	_ =	shalt  }
0x4f: {  	_ =	shalt  }
0x50: {  	_ =	shalt  }
0x51: {  	_ =	shalt  }
0x52: {  	_ =	shalt  }
0x53: {  	_ =	shalt  }
0x54: {  	_ =	shalt  }
0x55: {  	_ =	shalt  }
0x56: {  	_ =	shalt  }
0x57: {  	_ =	shalt  }
0x58: {  	_ =	shalt  }
0x59: {  	_ =	shalt  }
0x5a: {  	_ =	shalt  }
0x5b: {  	_ =	shalt  }
0x5c: {  	_ =	shalt  }
0x5d: {  	_ =	shalt  }
0x5e: {  	_ =	shalt  }
0x5f: {  	_ =	shalt  }
0x60: {  	_ =	shalt  }
0x61: {  	_ =	shalt  }
0x62: {  	_ =	shalt  }
0x63: {  	_ =	shalt  }
0x64: {  	_ =	shalt  }
0x65: {  	_ =	shalt  }
0x66: {  	_ =	shalt  }
0x67: {  	_ =	shalt  }
0x68: {  	_ =	shalt  }
0x69: {  	_ =	shalt  }
0x6a: {  	_ =	shalt  }
0x6b: {  	_ =	shalt  }
0x6c: {  	_ =	shalt  }
0x6d: {  	_ =	shalt  }
0x6e: {  	_ =	shalt  }
0x6f: {  	_ =	shalt  }
0x70: {  	_ =	shalt  }
0x71: {  	_ =	shalt  }
0x72: {  	_ =	shalt  }
0x73: {  	_ =	shalt  }
0x74: {  	_ =	shalt  }
0x75: {  	_ =	shalt  }
0x76: {  	_ =	shalt  }
0x77: {  	_ =	shalt  }
0x78: {  	_ =	shalt  }
0x79: {  	_ =	shalt  }
0x7a: {  	_ =	shalt  }
0x7b: {  	_ =	shalt  }
0x7c: {  	_ =	shalt  }
0x7d: {  	_ =	shalt  }
0x7e: {  	_ =	shalt  }
0x7f: {  	_ =	shalt  }
0x80: {  	_ =	shalt  }
0x81: {  	_ =	shalt  }
0x82: {  	_ =	shalt  }
0x83: {  	_ =	shalt  }
0x84: {  	_ =	shalt  }
0x85: {  	_ =	shalt  }
0x86: {  	_ =	shalt  }
0x87: {  	_ =	shalt  }
.Lfunc_end0:
.L_simem_size_0:
called_computation_lowered:
.L_overlay_start_0:
0x88: {  	s2 =	sld [smem:$0x3FD9]  }
0x89: {  	s3 =	sld [smem:$0x3FFE];
	_ =	sdelay $0x1  }
0x8a: {  	s1 =	srdreg.scid  }
0x8b: {  	s0 =	sand.u32 $0x1, s1  }
0x8c: {  	s17 =	sshll.u32 s0, $0xA;
	s2 =	sadd.s32 s3, s2  }
0x8d: {  	s2 =	sadd.s32 s2, s17  }
0x8e: {  	[smem:$0x3FC6] =	sst s2  }
0x8f: {  	_ = 	snop  }
0x90: {  	s2 =	sld [smem:$0x3FC9]  }
0x91: {  	s18 =	sld [smem:$0x3FC8]  }
0x92: {  	s4 =	sld [smem:$0x3FD0];
	(tm) =	ssettm $0x1  }
0x93: {  	s5 =	sld [smem:$0x3FFB];
	_ =	sdelay $0x3  }
0x94: {  	_ =	strace s5  }
0x95: {  	s5 =	sld [smem:$0x3FFC];
	_ =	sdelay $0x3  }
0x96: {  	_ =	strace s5  }
0x97: {  	s5 =	sld [smem:$0x3FFD];
	_ =	sdelay $0x3  }
0x98: {  	_ =	strace s5  }
0x99: {  	_ =	strace $0x8FFFFFFF  }
0x9a: {  	s19 =	sld [smem:$0x3FDB];
	_ =	sdelay $0x1  }
0x9b: {  	s6 =	simm.s32 $_scs_section_size  }
0x9c: {  	s7 =	simm.s32 $_size__tile_overlayer_lowered;
	s8 =	simm.s32 $_tile_overlayer_lowered  }
0x9d: {  	s22 =	simm.s32 $0x1BFF;
	s21 =	sshll.u32 s8, $0x1;
	s5 =	sadd.s32 s6, s19  }
0x9e: {  	s9 =	simm.s32 $0x0;
	s20 =	sshll.u32 s7, $0x1;
	s7 =	sadd.s32 s21, s5  }
0x9f: {  	[timem:s9], [sflag:s22] =	dma.local [hbm:s7], s20  }
0xa0: {  	_ =	swait.ge [sflag:s22], s20  }
0xa1: {  	s6 =	ssub.s32 $0x0, s20;
	[sflag:s22] =	ssyncset.done $0x0  }
0xa2: {  	[sflag:s22] =	ssyncadd.s32 s6;
	_ =	sdelay $0x1  }
0xa3: {  	s23 =	simm.s32 $0x1B8B  }
0xa4: {  	_ =	swait.ge [sflag:s23], $0x1  }
0xa5: {  	[sflag:s23] =	ssyncset.done $0x0  }
0xa6: {  	s25 =	simm.s32 $0x1B8E;
	s24 =	sld [smem:$0x3FFE];
	[sflag:s23] =	ssyncadd.s32 $0xFFFFFFFF  }
0xa7: {  	s26 =	simm.s32 $execute0_lowered;
	[smem:$0x3FD2] =	sst s25  }
0xa8: {  	s7 =	sshll.u32 s26, $0x1;
	_ =	strace $0x80000046;
	[dreg:$0x1] =	wrdreg $0xFFFFFFFF  }
0xa9: {  	s28 =	simm.s32 $_size_execute0_lowered;
	s5 =	sadd.s32 s5, s7;
	[dreg:$0x0] =	wrdreg $0x0  }
0xaa: {  	s7 =	sshll.u32 s28, $0x1;
	[dreg:$0x2] =	wrdreg s5  }
0xab: {  	[dreg:$0x3] =	wrdreg s7  }
0xac: {  	[dreg:$0x4] =	wrdreg $0xC0  }
0xad: {  	_ =	task [dreg:s9], $0x5FFFF  }
0xae: {  	[dreg:$0x1] =	wrdreg $0xFFFFFFFF  }
0xaf: {  	[dreg:$0x0] =	wrdreg $0x60  }
0xb0: {  	[dreg:$0x2] =	wrdreg s2  }
0xb1: {  	[dreg:$0x3] =	wrdreg s18  }
0xb2: {  	[dreg:$0x4] =	wrdreg s4  }
0xb3: {  	[dreg:$0x5] =	wrdreg s24  }
0xb4: {  	[dreg:$0x6] =	wrdreg $0x9  }
0xb5: {  	_ =	task.clear_ibuf [dreg:s9], $0x7FFFF;
	_ =	strace $0x90000046  }
0xb6: {  	s29 =	simm.s32 $0x9;
	_ =	strace $0x80000048  }
0xb7: {  	_ =	swait.ge [sflag:s29], $0x1  }
0xb8: {  	[sflag:s29] =	ssyncadd.s32 $0xFFFFFFFF  }
0xb9: {  	_ =	strace $0x90000048  }
0xba: {  	_ =	sfence  }
0xbb: {  	s30 =	sld [smem:$0x0];
	_ =	sdelay $0x2  }
0xbc: {  	s31 =	sshll.u32 s1, $0xD;
	s1 =	sshrl.u32 s1, $0x2  }
0xbd: {  	s3 =	sand.u32 $0x4000, s31;
	s1 =	sadd.s32 s1, s30  }
0xbe: {  	s0 =	sor.u32 s3, s0;
	s1 =	sshll.u32 s1, $0x11  }
0xbf: {  	s0 =	sor.u32 s1, s0  }
0xc0: {  	s0 =	sadd.s32 $0x8F2B, s0  }
0xc1: {  	[sflag:s0] =	ssyncadd.remote.s32 $0x1  }
0xc2: {  	_ =	sfence.sel $0xFFFF  }
0xc3: {  	[dreg:$0x0] =	wrdreg $0xFFFFFFFF;
	(pc) =	sbr.abs _section_cstart, $3  }
0xc4: {  	[dreg:$0x1] =	wrdreg $0xFFFFFFFF  }
0xc5: {  	_ =	task.clear_ibuf [dreg:s9], $0x2FFFF;
	_ =	strace $0x9FFFFFFF  }
0xc6: {  	(tm) =	ssettm $0x7FFFFFFF  }
0xc7: {  	_ =	shalt  }
tec
execute0_lowered:
.L_overlay_start_1:
0x0: {  	(tag) =	ssettag $0x1  }
0x1: {  	s0 =	rddreg [dreg:$0x0]  }
0x2: {  	s1 =	rddreg [dreg:$0x1]  }
0x3: {  	s3 =	rddreg [dreg:$0x2]  }
0x4: {  	s4 =	rddreg [dreg:$0x3];
	s5 =	srdreg.scid  }
0x5: {  	s2 =	simm.s32 $0x0;
	s12 =	stileid.u32;
	s19 =	simm.s32 $0x5  }
0x6: {  	s29 =	simm.s32 $0x1;
	s30 =	simm.s32 $0x40;
	s20 =	simm.s32 $0x16E00  }
0x7: {  	v0 =	vimm.s32 $0xFFEDCBA9;
	v1 =	vimm.s32 $0x87654321;
	s28 =	simm.s32 $0x3;
	s5 =	sand.u32 $0x1, s5;
	[smem:$0x7FF] =	sst s2  }
0x8: {  	s10 =	sadd.s32 $0x800, s4;
	s4 =	sadd.s32 $0x40800, s4;
	s21 =	sshll.u32 s12, $0xA;
	v2 =	vunpack.c.l.s4.s8 v0;
	v1 =	vunpack.c.l.s4.s8 v1  }
0x9: {  	s11 =	sshll.u32 s12, $0x7;
	s26 =	sshll.u32 s12, $0xD;
	v0 =	vlaneseq.u32;
	s6 =	ssub.s32 $0x2, s5  }
0xa: {  	_ =	strace $0x80000047;
	s8 =	sshll.u32 s5, $0x9;
	s9 =	sshll.u32 s5, $0xE;
	v4 =	vunpack.c.0.s8.s32 v2;
	v5 =	vunpack.c.0.s8.s32 v1;
	v1 =	vmul.u32 $0x10, v0  }
0xb: {  	vm0 =	vmmov $0x7fff;
	s22 =	sadd.s32 s0, s11;
	s25 =	sshll.u32 s5, $0xB;
	s5 =	sshll.u32 s5, $0x11;
	v3 =	vor.u32 $0x80000000, v0;
	v2 =	vmov s12  }
0xc: {  	s7 =	sshrl.u32 s6, $0x1;
	s8 =	sor.u32 s8, s21;
	[dreg:$0x5] =	wrdreg s22;
	v4 =	vcombine.low v5, v4;
	v5 =	vimm.s32 $0x100000;
	v6 =	vor.u32 $0x100, v1  }
0xd: {  	s22 =	simm.s32 $0x2;
	s6 =	ssub.s32 s6, s7;
	s7 =	sor.u32 s21, s9;
	v7 =	vor.u32 $0x200, v1;
	v8 =	vor.u32 $0x300, v1;
	v9 =	vor.u32 $0x400, v1  }
0xe: {  	s23 =	sshrl.u32 s8, $0x3;
	s31 =	sshll.u32 s8, $0x4;
	s21 =	simm.s32 $0x400;
	v10 =	vor.u32 $0x500, v1;
	v11 =	vor.u32 $0x600, v1;
	v12 =	vor.u32 $0x700, v1  }
0xf: {  	s7 =	sshrl.u32 s7, $0x3;
	s0 =	sadd.s32 s0, s23;
	s8 =	sadd.s32 s3, s31;
	v13 =	vor.u32 $0x800, v1;
	v14 =	vor.u32 $0x900, v1;
	v15 =	vor.u32 $0xA00, v1  }
0x10: {  	s18 =	smax.u32 s6, $0x1;
	s23 =	simm.s32 $0xA00;
	v16 =	vor.u32 $0xB00, v1;
	v17 =	vor.u32 $0xC00, v1;
	v18 =	vor.u32 $0xD00, v1;
	s3 =	simm.s32 $0x4  }
0x11: {  	v19 =	vor.u32 $0xE00, v1;
	v20 =	vor.u32 $0xF00, v1;
	v21 =	vor.u32 $0x1000, v1;
	[dreg:$0x6] =	wrdreg s0;
	s24 =	sadd.s32 s4, s7;
	s7 =	sadd.s32 s4, s25  }
0x12: {  	v22 =	vor.u32 $0x1100, v1;
	v23 =	vor.u32 $0x1200, v1;
	v24 =	vor.u32 $0x1300, v1;
	s0 =	sadd.s32 s10, s26;
	s10 =	sadd.s32 s10, s5;
	s11 =	sadd.s32 $0x400, s8  }
0x13: {  	v25 =	vor.u32 $0x1400, v1;
	v26 =	vor.u32 $0x1500, v1;
	v27 =	vor.u32 $0x1600, v1;
	s12 =	sadd.s32 $0x800, s8;
	s13 =	sadd.s32 $0xC00, s8;
	s14 =	sadd.s32 $0x1000, s8  }
0x14: {  	v28 =	vor.u32 $0x1700, v1;
	v29 =	vor.u32 $0x1800, v1;
	v30 =	vor.u32 $0x1900, v1;
	s15 =	sadd.s32 $0x1400, s8;
	s16 =	sadd.s32 $0x1800, s8;
	s17 =	sadd.s32 $0x1C00, s8  }
0x15: {  	v31 =	vor.u32 $0x1A00, v1;
	v32 =	vor.u32 $0x1B00, v1;
	v33 =	vor.u32 $0x1C00, v1;
	s26 =	simm.s32 $0x18E00;
	s25 =	simm.s32 $0x0;
	[dreg:$0x7] =	wrdreg s24  }
0x16: {  	v34 =	vor.u32 $0x1D00, v1;
	v35 =	vor.u32 $0x1E00, v1;
	v36 =	vor.u32 $0x1F00, v1;
	s9 =	sadd.s32 s5, s0;
	s24 =	simm.s32 $0x100;
	s0 =	simm.s32 $0x14E00  }
.LBB2_1:
0x17: {  	s4 =	rddreg [dreg:$0x5]  }
0x18: {  	[tilespmem:s2], [sflag:$0x5] =	stream.linear.gather [hbm4b:s4+s2], $0x400, $0x38;
	[tilespmem:$0x1AE00] =	vst v63  }
0x19: {  	_ =	swait.ge [sflag:s19], $0x400  }
0x1a: {  	[sflag:s19] =	ssyncset.done $0x0  }
0x1b: {  	s5 =	simm.s32 $0x800;
	s6 =	rddreg [dreg:$0x6];
	[sflag:s19] =	ssyncadd.s32 $0xFFFFFC00  }
0x1c: {  	[tilespmem:s5], [sflag:$0x5] =	stream.linear.gather [hbm4b:s6+s2], $0x200, $0x38;
	[tilespmem:$0x1AE00] =	vst v63  }
0x1d: {  	_ =	swait.ge [sflag:s19], $0x200  }
0x1e: {  	[sflag:s19] =	ssyncset.done $0x0  }
0x1f: {  	[sflag:s19] =	ssyncadd.s32 $0xFFFFFE00  }
0x20: {  	v37 =	vld [tilespmem:s2+$0x0];
	_ =	sdelay $0x4  }
0x21: {  	v38 =	vshll.u32 v37, $0x4  }
0x22: {  	v38 =	vxor.u32 v3, v38  }
0x23: {  	(xrf1) =	vsort.ascd.msk.u32 $0xffff, v38, v0;
	_ =	sdelay $0xd  }
0x24: {  	v38, _, _ =	vpop (xrf1)  }
0x25: {  	v39 =	vshra.s32 v38, $0x4  }
0x26: {  	v39 =	vxor.u32 $0xF8000000, v39  }
0x27: {  	v40 =	vperm.xlane v39, v4;
	_ =	sdelay $0x1  }
0x28: {  	vm1 =	veq.s32 v39, v40  }
0x29: {  	v38 =	vand.u32 $0xF, v38;
	vm1 =	vmand vm1, vm0  }
0x2a: {  	v38 =	vor.u32 s2, v38;
	_ =	sdelay $0x3  }
0x2b: {  	[tilespmem:s21+$0x0] =	vst v37  }
0x2c: {  	s31 =	simm.s32 $0x10;
	[tilespmem:v38+s21+$0x0] =	vst.idx.msk vm1, v5  }
0x2d: {  	s4 =	simm.s32 $0x400;
	s5 =	simm.s32 $0x20;
	s6 =	simm.s32 $0x10;
	v37 =	vld [tilespmem:s31+$0x0]  }
.LBB2_2:
0x2e: {  	p0 =	sne.s32 s5, $0x3F0;
	_ =	sdelay $0x3  }
0x2f: {  	v38 =	vshll.u32 v37, $0x4  }
0x30: {  	v38 =	vxor.u32 v3, v38  }
0x31: {  	(xrf1) =	vsort.ascd.msk.u32 $0xffff, v38, v0;
	_ =	sdelay $0xd  }
0x32: {  	v38, _, _ =	vpop (xrf1)  }
0x33: {  	v39 =	vshra.s32 v38, $0x4  }
0x34: {  	v39 =	vxor.u32 $0xF8000000, v39  }
0x35: {  	v40 =	vperm.xlane v39, v4;
	_ =	sdelay $0x1  }
0x36: {  	vm1 =	veq.s32 v39, v40  }
0x37: {  	v38 =	vand.u32 $0xF, v38;
	vm1 =	vmand vm1, vm0  }
0x38: {  	v38 =	vor.u32 s31, v38;
	s31 =	smov.u32 s5;
	_ =	sdelay $0x1  }
.Ltmp0:
0x39: {  	(pc) =	sbr.rel @p0 .LBB2_2-.Ltmp0, $4  }
0x3a: {  	s4 =	sadd.s32 $0x10, s4  }
0x3b: {  	[tilespmem:s4+$0x0] =	vst v37  }
0x3c: {  	s6 =	sadd.s32 $0x10, s6;
	[tilespmem:v38+s21+$0x0] =	vst.idx.msk vm1, v5  }
0x3d: {  	s5 =	sadd.s32 $0x10, s5;
	v37 =	vld [tilespmem:s6+$0x0]  }
0x3e: {  	_ =	sdelay $0x3  }
0x3f: {  	v38 =	vshll.u32 v37, $0x4  }
0x40: {  	v38 =	vxor.u32 v3, v38  }
0x41: {  	(xrf1) =	vsort.ascd.msk.u32 $0xffff, v38, v0;
	_ =	sdelay $0xd  }
0x42: {  	v38, _, _ =	vpop (xrf1)  }
0x43: {  	v39 =	vshra.s32 v38, $0x4  }
0x44: {  	v39 =	vxor.u32 $0xF8000000, v39  }
0x45: {  	v40 =	vperm.xlane v39, v4;
	_ =	sdelay $0x1  }
0x46: {  	vm1 =	veq.s32 v39, v40  }
0x47: {  	v38 =	vand.u32 $0xF, v38;
	vm1 =	vmand vm1, vm0  }
0x48: {  	v38 =	vor.u32 s31, v38;
	_ =	sdelay $0x2  }
0x49: {  	s4 =	sadd.s32 $0x10, s4  }
0x4a: {  	[tilespmem:s4+$0x0] =	vst v37  }
0x4b: {  	s5 =	rddreg [dreg:$0x7];
	[tilespmem:v38+s21+$0x0] =	vst.idx.msk vm1, v5  }
0x4c: {  	[hbm4b:s5+s2] =	stream.linear.scatter [tilespmem:s21], [sflag:$0x5], $0x400, $0x38;
	[tilespmem:$0x1AE00] =	vst v63  }
0x4d: {  	_ =	swait.ge [sflag:s19], $0x400  }
0x4e: {  	[sflag:s19] =	ssyncset.done $0x0  }
0x4f: {  	[sflag:s19] =	ssyncadd.s32 $0xFFFFFC00  }
0x50: {  	s6 =	simm.s32 $0x10A00;
	[bflag:$0x0] =	sbarrier.arrive $0xFFFF  }
0x51: {  	[tilespmem:s6], [sflag:$0x5] =	stream.linear.gather [hbm4b:s7+s2], $0x4000, $0x38;
	[tilespmem:$0x1AE00] =	vst v63  }
0x52: {  	_ =	swait.ge [sflag:s19], $0x4000  }
0x53: {  	[sflag:s19] =	ssyncset.done $0x0  }
0x54: {  	s4 =	simm.s32 $0x70;
	s31 =	simm.s32 $0x10A40;
	[sflag:s19] =	ssyncadd.s32 $0xFFFFC000  }
.LBB2_4:
0x55: {  	v37 =	vld [tilespmem:s31+$0xFFFFFFC0];
	_ =	sdelay $0x4  }
0x56: {  	v38 =	vshra.s32 v37, $0x10  }
0x57: {  	vm1 =	veq.s32 v38, v2  }
0x58: {  	v37 =	vand.u32 $0xFFFF, v37;
	_ =	sdelay $0x2  }
0x59: {  	s5 =	sadd.s32 $0xFFFFFF90, s4  }
0x5a: {  	v49 =	vor.u32 s5, v0  }
0x5b: {  	[tilespmem:v37+s23+$0x0] =	vst.idx.msk vm1, v49  }
0x5c: {  	v37 =	vld [tilespmem:s31+$0xFFFFFFD0];
	_ =	sdelay $0x4  }
0x5d: {  	v50 =	vshra.s32 v37, $0x10  }
0x5e: {  	vm1 =	veq.s32 v50, v2  }
0x5f: {  	v37 =	vand.u32 $0xFFFF, v37;
	_ =	sdelay $0x2  }
0x60: {  	s6 =	sadd.s32 $0xFFFFFFA0, s4  }
0x61: {  	v51 =	vor.u32 s6, v0  }
0x62: {  	[tilespmem:v37+s23+$0x0] =	vst.idx.msk vm1, v51  }
0x63: {  	v37 =	vld [tilespmem:s31+$0xFFFFFFE0];
	_ =	sdelay $0x4  }
0x64: {  	v52 =	vshra.s32 v37, $0x10  }
0x65: {  	vm1 =	veq.s32 v52, v2  }
0x66: {  	v37 =	vand.u32 $0xFFFF, v37;
	_ =	sdelay $0x2  }
0x67: {  	s6 =	sadd.s32 $0xFFFFFFB0, s4  }
0x68: {  	v53 =	vor.u32 s6, v0  }
0x69: {  	[tilespmem:v37+s23+$0x0] =	vst.idx.msk vm1, v53  }
0x6a: {  	v37 =	vld [tilespmem:s31+$0xFFFFFFF0];
	_ =	sdelay $0x4  }
0x6b: {  	v54 =	vshra.s32 v37, $0x10  }
0x6c: {  	vm1 =	veq.s32 v54, v2  }
0x6d: {  	v37 =	vand.u32 $0xFFFF, v37;
	_ =	sdelay $0x2  }
0x6e: {  	s6 =	sadd.s32 $0xFFFFFFC0, s4  }
0x6f: {  	v55 =	vor.u32 s6, v0  }
0x70: {  	[tilespmem:v37+s23+$0x0] =	vst.idx.msk vm1, v55  }
0x71: {  	v37 =	vld [tilespmem:s31+$0x0];
	_ =	sdelay $0x4  }
0x72: {  	v56 =	vshra.s32 v37, $0x10  }
0x73: {  	vm1 =	veq.s32 v56, v2  }
0x74: {  	v37 =	vand.u32 $0xFFFF, v37;
	_ =	sdelay $0x2  }
0x75: {  	s6 =	sadd.s32 $0xFFFFFFD0, s4  }
0x76: {  	v57 =	vor.u32 s6, v0  }
0x77: {  	[tilespmem:v37+s23+$0x0] =	vst.idx.msk vm1, v57  }
0x78: {  	v37 =	vld [tilespmem:s31+$0x10];
	_ =	sdelay $0x4  }
0x79: {  	v58 =	vshra.s32 v37, $0x10  }
0x7a: {  	vm1 =	veq.s32 v58, v2  }
0x7b: {  	v37 =	vand.u32 $0xFFFF, v37;
	_ =	sdelay $0x2  }
0x7c: {  	s6 =	sadd.s32 $0xFFFFFFE0, s4  }
0x7d: {  	v59 =	vor.u32 s6, v0  }
0x7e: {  	[tilespmem:v37+s23+$0x0] =	vst.idx.msk vm1, v59  }
0x7f: {  	v37 =	vld [tilespmem:s31+$0x20];
	_ =	sdelay $0x4  }
0x80: {  	v60 =	vshra.s32 v37, $0x10  }
0x81: {  	vm1 =	veq.s32 v60, v2  }
0x82: {  	v37 =	vand.u32 $0xFFFF, v37;
	_ =	sdelay $0x2  }
0x83: {  	s6 =	sadd.s32 $0xFFFFFFF0, s4  }
0x84: {  	v61 =	vor.u32 s6, v0  }
0x85: {  	[tilespmem:v37+s23+$0x0] =	vst.idx.msk vm1, v61  }
0x86: {  	v37 =	vld [tilespmem:s31+$0x30];
	_ =	sdelay $0x4  }
0x87: {  	v62 =	vshra.s32 v37, $0x10  }
0x88: {  	vm1 =	veq.s32 v62, v2  }
0x89: {  	p0 =	sne.s32 s4, $0x3FF0;
	v37 =	vand.u32 $0xFFFF, v37  }
.Ltmp1:
0x8a: {  	_ = 	snop;
	(pc) =	sbr.rel @p0 .LBB2_4-.Ltmp1, $3  }
0x8b: {  	_ =	sdelay $0x1  }
0x8c: {  	v63 =	vor.u32 s4, v0  }
0x8d: {  	s4 =	sadd.s32 $0x80, s4;
	s31 =	sadd.s32 $0x80, s31;
	[tilespmem:v37+s23+$0x0] =	vst.idx.msk vm1, v63  }
0x8e: {  	s4 =	simm.s32 $0x0  }
0x8f: {  	[hbm4b:s9+s4] =	stream.linear.scatter [tilespmem:s23], [sflag:$0x5], $0x10000, $0x38;
	[tilespmem:$0x1AE00] =	vst v63  }
0x90: {  	_ =	swait.ge [sflag:s19], $0x10000  }
0x91: {  	[sflag:s19] =	ssyncset.done $0x0  }
0x92: {  	s4 =	simm.s32 $0x0;
	[sflag:s19] =	ssyncadd.s32 $0xFFFF0000  }
0x93: {  	s5 =	simm.s32 $0x40;
	v37 =	vld [tilespmem:s4+$0x800]  }
.LBB2_6:
0x94: {  	p0 =	sne.s32 s5, $0x7C0  }
.Ltmp2:
0x95: {  	_ = 	snop;
	(pc) =	sbr.rel @p0 .LBB2_6-.Ltmp2, $3  }
0x96: {  	_ =	sdelay $0x1  }
0x97: {  	s6 =	sshra.s32 s5, $0x2;
	s5 =	sadd.s32 $0x40, s5;
	v38 =	vshra.s32 v37, $0x4  }
0x98: {  	v37 =	vld [tilespmem:s6+$0x800];
	[tilespmem:s4+$0x14A00] =	vst v38;
	s4 =	smov.u32 s6  }
0x99: {  	_ =	sdelay $0x3  }
0x9a: {  	v37 =	vshra.s32 v37, $0x4  }
0x9b: {  	[tilespmem:s4+$0x14A00] =	vst v37  }
0x9c: {  	s6 =	simm.s32 $0x14A00;
	[bflag:$0x0] =	sbarrier.arrive $0xFFFF  }
0x9d: {  	[tilespmem:s23], [sflag:$0x1] =	stream.indirect.gather [hbm4b:s10+s24], $0x10, s6, s24, $0xb8;
	[tilespmem:$0x1AE00] =	vst v63  }
0x9e: {  	s31 =	simm.s32 $0x14B00;
	s5 =	simm.s32 $0x1A00  }
0x9f: {  	[tilespmem:s5], [sflag:$0x2] =	stream.indirect.gather [hbm4b:s10+s24], $0x10, s31, s24, $0xb8;
	[tilespmem:$0x1AE00] =	vst v63  }
0xa0: {  	_ =	swait.ge [sflag:s29], $0x1000  }
0xa1: {  	[sflag:s29] =	ssyncset.done $0x0  }
0xa2: {  	[sflag:s29] =	ssyncadd.s32 $0xFFFFF000  }
0xa3: {  	v51 =	vld [tilespmem:$0x800];
	_ =	sdelay $0x4  }
0xa4: {  	v37 =	vand.u32 $0xF, v51  }
0xa5: {  	v38 =	vld [tilespmem:$0x810];
	v37 =	vor.u32 v1, v37;
	_ =	sdelay $0x4  }
0xa6: {  	v38 =	vand.u32 $0xF, v38;
	v37 =	vld.idx.msk [tilespmem:v37+s23+$0x0], $0xffff  }
0xa7: {  	v39 =	vld [tilespmem:$0x820];
	v38 =	vor.u32 v6, v38;
	_ =	sdelay $0x3  }
0xa8: {  	[tilespmem:$0x14C00] =	vst v37  }
0xa9: {  	v52 =	vand.u32 $0xF, v39;
	v37 =	vld.idx.msk [tilespmem:v38+s23+$0x0], $0xffff  }
0xaa: {  	v53 =	vld [tilespmem:$0x830];
	v38 =	vor.u32 v7, v52;
	_ =	sdelay $0x3  }
0xab: {  	[tilespmem:$0x14C10] =	vst v37  }
0xac: {  	v54 =	vand.u32 $0xF, v53;
	v37 =	vld.idx.msk [tilespmem:v38+s23+$0x0], $0xffff  }
0xad: {  	v55 =	vld [tilespmem:$0x840];
	v38 =	vor.u32 v8, v54;
	_ =	sdelay $0x3  }
0xae: {  	[tilespmem:$0x14C20] =	vst v37  }
0xaf: {  	v56 =	vand.u32 $0xF, v55;
	v37 =	vld.idx.msk [tilespmem:v38+s23+$0x0], $0xffff  }
0xb0: {  	v57 =	vld [tilespmem:$0x850];
	v38 =	vor.u32 v9, v56;
	_ =	sdelay $0x3  }
0xb1: {  	[tilespmem:$0x14C30] =	vst v37  }
0xb2: {  	v58 =	vand.u32 $0xF, v57;
	v37 =	vld.idx.msk [tilespmem:v38+s23+$0x0], $0xffff  }
0xb3: {  	v59 =	vld [tilespmem:$0x860];
	v38 =	vor.u32 v10, v58;
	_ =	sdelay $0x3  }
0xb4: {  	[tilespmem:$0x14C40] =	vst v37  }
0xb5: {  	v60 =	vand.u32 $0xF, v59;
	v37 =	vld.idx.msk [tilespmem:v38+s23+$0x0], $0xffff  }
0xb6: {  	v61 =	vld [tilespmem:$0x870];
	v38 =	vor.u32 v11, v60;
	_ =	sdelay $0x3  }
0xb7: {  	[tilespmem:$0x14C50] =	vst v37  }
0xb8: {  	v62 =	vand.u32 $0xF, v61;
	v37 =	vld.idx.msk [tilespmem:v38+s23+$0x0], $0xffff  }
0xb9: {  	v63 =	vld [tilespmem:$0x880];
	v38 =	vor.u32 v12, v62;
	_ =	sdelay $0x3  }
0xba: {  	[tilespmem:$0x14C60] =	vst v37  }
0xbb: {  	v42 =	vand.u32 $0xF, v63;
	v37 =	vld.idx.msk [tilespmem:v38+s23+$0x0], $0xffff  }
0xbc: {  	v43 =	vld [tilespmem:$0x890];
	v38 =	vor.u32 v13, v42;
	_ =	sdelay $0x3  }
0xbd: {  	[tilespmem:$0x14C70] =	vst v37  }
0xbe: {  	v44 =	vand.u32 $0xF, v43;
	v37 =	vld.idx.msk [tilespmem:v38+s23+$0x0], $0xffff  }
0xbf: {  	v45 =	vld [tilespmem:$0x8A0];
	v38 =	vor.u32 v14, v44;
	_ =	sdelay $0x3  }
0xc0: {  	[tilespmem:$0x14C80] =	vst v37  }
0xc1: {  	v46 =	vand.u32 $0xF, v45;
	v37 =	vld.idx.msk [tilespmem:v38+s23+$0x0], $0xffff  }
0xc2: {  	v47 =	vld [tilespmem:$0x8B0];
	v38 =	vor.u32 v15, v46;
	_ =	sdelay $0x3  }
0xc3: {  	[tilespmem:$0x14C90] =	vst v37  }
0xc4: {  	v48 =	vand.u32 $0xF, v47;
	v37 =	vld.idx.msk [tilespmem:v38+s23+$0x0], $0xffff  }
0xc5: {  	v49 =	vld [tilespmem:$0x8C0];
	v38 =	vor.u32 v16, v48;
	_ =	sdelay $0x3  }
0xc6: {  	[tilespmem:$0x14CA0] =	vst v37  }
0xc7: {  	v50 =	vand.u32 $0xF, v49;
	v37 =	vld.idx.msk [tilespmem:v38+s23+$0x0], $0xffff  }
0xc8: {  	v51 =	vld [tilespmem:$0x8D0];
	v38 =	vor.u32 v17, v50;
	_ =	sdelay $0x3  }
0xc9: {  	[tilespmem:$0x14CB0] =	vst v37  }
0xca: {  	v52 =	vand.u32 $0xF, v51;
	v37 =	vld.idx.msk [tilespmem:v38+s23+$0x0], $0xffff  }
0xcb: {  	v53 =	vld [tilespmem:$0x8E0];
	v38 =	vor.u32 v18, v52;
	_ =	sdelay $0x3  }
0xcc: {  	[tilespmem:$0x14CC0] =	vst v37  }
0xcd: {  	v54 =	vand.u32 $0xF, v53;
	v37 =	vld.idx.msk [tilespmem:v38+s23+$0x0], $0xffff  }
0xce: {  	v55 =	vld [tilespmem:$0x8F0];
	v38 =	vor.u32 v19, v54;
	_ =	sdelay $0x3  }
0xcf: {  	[tilespmem:$0x14CD0] =	vst v37  }
0xd0: {  	v56 =	vand.u32 $0xF, v55;
	v37 =	vld.idx.msk [tilespmem:v38+s23+$0x0], $0xffff  }
0xd1: {  	v38 =	vor.u32 v20, v56;
	_ =	sdelay $0x3  }
0xd2: {  	[tilespmem:$0x14CE0] =	vst v37  }
0xd3: {  	v37 =	vld.idx.msk [tilespmem:v38+s23+$0x0], $0xffff;
	_ =	sdelay $0x4  }
0xd4: {  	s6 =	simm.s32 $0x14C00;
	[tilespmem:$0x14CF0] =	vst v37  }
0xd5: {  	[tilespmem:s0], [sflag:$0x3] =	stream.indirect.gather [hbm4b:s1+s30], $0x80, s6, s30, $0xb8;
	[tilespmem:$0x1AE00] =	vst v63  }
0xd6: {  	s31 =	simm.s32 $0x14C40  }
0xd7: {  	[tilespmem:s20], [sflag:$0x4] =	stream.indirect.gather [hbm4b:s1+s30], $0x80, s31, s30, $0xb8;
	[tilespmem:$0x1AE00] =	vst v63  }
0xd8: {  	_ =	swait.ge [sflag:s22], $0x1000  }
0xd9: {  	[sflag:s22] =	ssyncset.done $0x0  }
0xda: {  	[sflag:s22] =	ssyncadd.s32 $0xFFFFF000  }
0xdb: {  	v57 =	vld [tilespmem:$0x900];
	_ =	sdelay $0x4  }
0xdc: {  	v37 =	vand.u32 $0xF, v57  }
0xdd: {  	v58 =	vld [tilespmem:$0x910];
	v37 =	vor.u32 v21, v37;
	_ =	sdelay $0x4  }
0xde: {  	v38 =	vand.u32 $0xF, v58;
	v37 =	vld.idx.msk [tilespmem:v37+s23+$0x0], $0xffff  }
0xdf: {  	v59 =	vld [tilespmem:$0x920];
	v38 =	vor.u32 v22, v38;
	_ =	sdelay $0x3  }
0xe0: {  	[tilespmem:$0x14D00] =	vst v37  }
0xe1: {  	v60 =	vand.u32 $0xF, v59;
	v37 =	vld.idx.msk [tilespmem:v38+s23+$0x0], $0xffff  }
0xe2: {  	v61 =	vld [tilespmem:$0x930];
	v38 =	vor.u32 v23, v60;
	_ =	sdelay $0x3  }
0xe3: {  	[tilespmem:$0x14D10] =	vst v37  }
0xe4: {  	v62 =	vand.u32 $0xF, v61;
	v37 =	vld.idx.msk [tilespmem:v38+s23+$0x0], $0xffff  }
0xe5: {  	v63 =	vld [tilespmem:$0x940];
	v38 =	vor.u32 v24, v62;
	_ =	sdelay $0x3  }
0xe6: {  	[tilespmem:$0x14D20] =	vst v37  }
0xe7: {  	v41 =	vand.u32 $0xF, v63;
	v37 =	vld.idx.msk [tilespmem:v38+s23+$0x0], $0xffff  }
0xe8: {  	v42 =	vld [tilespmem:$0x950];
	v38 =	vor.u32 v25, v41;
	_ =	sdelay $0x3  }
0xe9: {  	[tilespmem:$0x14D30] =	vst v37  }
0xea: {  	v43 =	vand.u32 $0xF, v42;
	v37 =	vld.idx.msk [tilespmem:v38+s23+$0x0], $0xffff  }
0xeb: {  	v44 =	vld [tilespmem:$0x960];
	v38 =	vor.u32 v26, v43;
	_ =	sdelay $0x3  }
0xec: {  	[tilespmem:$0x14D40] =	vst v37  }
0xed: {  	v45 =	vand.u32 $0xF, v44;
	v37 =	vld.idx.msk [tilespmem:v38+s23+$0x0], $0xffff  }
0xee: {  	v46 =	vld [tilespmem:$0x970];
	v38 =	vor.u32 v27, v45;
	_ =	sdelay $0x3  }
0xef: {  	[tilespmem:$0x14D50] =	vst v37  }
0xf0: {  	v47 =	vand.u32 $0xF, v46;
	v37 =	vld.idx.msk [tilespmem:v38+s23+$0x0], $0xffff  }
0xf1: {  	v48 =	vld [tilespmem:$0x980];
	v38 =	vor.u32 v28, v47;
	_ =	sdelay $0x3  }
0xf2: {  	[tilespmem:$0x14D60] =	vst v37  }
0xf3: {  	v49 =	vand.u32 $0xF, v48;
	v37 =	vld.idx.msk [tilespmem:v38+s23+$0x0], $0xffff  }
0xf4: {  	v50 =	vld [tilespmem:$0x990];
	v38 =	vor.u32 v29, v49;
	_ =	sdelay $0x3  }
0xf5: {  	[tilespmem:$0x14D70] =	vst v37  }
0xf6: {  	v51 =	vand.u32 $0xF, v50;
	v37 =	vld.idx.msk [tilespmem:v38+s23+$0x0], $0xffff  }
0xf7: {  	v52 =	vld [tilespmem:$0x9A0];
	v38 =	vor.u32 v30, v51;
	_ =	sdelay $0x3  }
0xf8: {  	[tilespmem:$0x14D80] =	vst v37  }
0xf9: {  	v53 =	vand.u32 $0xF, v52;
	v37 =	vld.idx.msk [tilespmem:v38+s23+$0x0], $0xffff  }
0xfa: {  	v54 =	vld [tilespmem:$0x9B0];
	v38 =	vor.u32 v31, v53;
	_ =	sdelay $0x3  }
0xfb: {  	[tilespmem:$0x14D90] =	vst v37  }
0xfc: {  	v55 =	vand.u32 $0xF, v54;
	v37 =	vld.idx.msk [tilespmem:v38+s23+$0x0], $0xffff  }
0xfd: {  	v56 =	vld [tilespmem:$0x9C0];
	v38 =	vor.u32 v32, v55;
	_ =	sdelay $0x3  }
0xfe: {  	[tilespmem:$0x14DA0] =	vst v37  }
0xff: {  	v57 =	vand.u32 $0xF, v56;
	v37 =	vld.idx.msk [tilespmem:v38+s23+$0x0], $0xffff  }
0x100: {  	v58 =	vld [tilespmem:$0x9D0];
	v38 =	vor.u32 v33, v57;
	_ =	sdelay $0x3  }
0x101: {  	[tilespmem:$0x14DB0] =	vst v37  }
0x102: {  	v59 =	vand.u32 $0xF, v58;
	v37 =	vld.idx.msk [tilespmem:v38+s23+$0x0], $0xffff  }
0x103: {  	v60 =	vld [tilespmem:$0x9E0];
	v38 =	vor.u32 v34, v59;
	_ =	sdelay $0x3  }
0x104: {  	[tilespmem:$0x14DC0] =	vst v37  }
0x105: {  	v61 =	vand.u32 $0xF, v60;
	v37 =	vld.idx.msk [tilespmem:v38+s23+$0x0], $0xffff  }
0x106: {  	v62 =	vld [tilespmem:$0x9F0];
	v38 =	vor.u32 v35, v61;
	_ =	sdelay $0x3  }
0x107: {  	[tilespmem:$0x14DD0] =	vst v37  }
0x108: {  	v63 =	vand.u32 $0xF, v62;
	v37 =	vld.idx.msk [tilespmem:v38+s23+$0x0], $0xffff  }
0x109: {  	v38 =	vor.u32 v36, v63;
	_ =	sdelay $0x3  }
0x10a: {  	[tilespmem:$0x14DE0] =	vst v37  }
0x10b: {  	v37 =	vld.idx.msk [tilespmem:v38+s23+$0x0], $0xffff;
	_ =	sdelay $0x4  }
0x10c: {  	s5 =	simm.s32 $0x14C80;
	[tilespmem:$0x14DF0] =	vst v37  }
0x10d: {  	[tilespmem:s26], [sflag:$0x1] =	stream.indirect.gather [hbm4b:s1+s30], $0x80, s5, s30, $0xb8;
	[tilespmem:$0x1AE00] =	vst v63  }
0x10e: {  	_ =	swait.ge [sflag:s28], $0x2000  }
0x10f: {  	[sflag:s28] =	ssyncset.done $0x0  }
0x110: {  	[sflag:s28] =	ssyncadd.s32 $0xFFFFE000  }
0x111: {  	[hbm4b:s8+s2] =	stream.linear.scatter [tilespmem:s0], [sflag:$0x5], $0x2000, $0x38;
	[tilespmem:$0x1AE00] =	vst v63  }
0x112: {  	_ =	swait.ge [sflag:s19], $0x2000  }
0x113: {  	[sflag:s19] =	ssyncset.done $0x0  }
0x114: {  	s6 =	simm.s32 $0x14CC0;
	[sflag:s19] =	ssyncadd.s32 $0xFFFFE000  }
0x115: {  	[tilespmem:s0], [sflag:$0x3] =	stream.indirect.gather [hbm4b:s1+s30], $0x80, s6, s30, $0xb8;
	[tilespmem:$0x1AE00] =	vst v63  }
0x116: {  	_ =	swait.ge [sflag:s3], $0x2000  }
0x117: {  	[sflag:s3] =	ssyncset.done $0x0  }
0x118: {  	[sflag:s3] =	ssyncadd.s32 $0xFFFFE000  }
0x119: {  	[hbm4b:s11+s2] =	stream.linear.scatter [tilespmem:s20], [sflag:$0x5], $0x2000, $0x38;
	[tilespmem:$0x1AE00] =	vst v63  }
0x11a: {  	_ =	swait.ge [sflag:s19], $0x2000  }
0x11b: {  	[sflag:s19] =	ssyncset.done $0x0  }
0x11c: {  	s31 =	simm.s32 $0x14D00;
	[sflag:s19] =	ssyncadd.s32 $0xFFFFE000  }
0x11d: {  	[tilespmem:s20], [sflag:$0x4] =	stream.indirect.gather [hbm4b:s1+s30], $0x80, s31, s30, $0xb8;
	[tilespmem:$0x1AE00] =	vst v63  }
0x11e: {  	_ =	swait.ge [sflag:s29], $0x2000  }
0x11f: {  	[sflag:s29] =	ssyncset.done $0x0  }
0x120: {  	[sflag:s29] =	ssyncadd.s32 $0xFFFFE000  }
0x121: {  	[hbm4b:s12+s2] =	stream.linear.scatter [tilespmem:s26], [sflag:$0x5], $0x2000, $0x38;
	[tilespmem:$0x1AE00] =	vst v63  }
0x122: {  	_ =	swait.ge [sflag:s19], $0x2000  }
0x123: {  	[sflag:s19] =	ssyncset.done $0x0  }
0x124: {  	s5 =	simm.s32 $0x14D40;
	[sflag:s19] =	ssyncadd.s32 $0xFFFFE000  }
0x125: {  	[tilespmem:s26], [sflag:$0x1] =	stream.indirect.gather [hbm4b:s1+s30], $0x80, s5, s30, $0xb8;
	[tilespmem:$0x1AE00] =	vst v63  }
0x126: {  	_ =	swait.ge [sflag:s28], $0x2000  }
0x127: {  	[sflag:s28] =	ssyncset.done $0x0  }
0x128: {  	[sflag:s28] =	ssyncadd.s32 $0xFFFFE000  }
0x129: {  	[hbm4b:s13+s2] =	stream.linear.scatter [tilespmem:s0], [sflag:$0x5], $0x2000, $0x38;
	[tilespmem:$0x1AE00] =	vst v63  }
0x12a: {  	_ =	swait.ge [sflag:s19], $0x2000  }
0x12b: {  	[sflag:s19] =	ssyncset.done $0x0  }
0x12c: {  	s6 =	simm.s32 $0x14D80;
	[sflag:s19] =	ssyncadd.s32 $0xFFFFE000  }
0x12d: {  	[tilespmem:s0], [sflag:$0x3] =	stream.indirect.gather [hbm4b:s1+s30], $0x80, s6, s30, $0xb8;
	[tilespmem:$0x1AE00] =	vst v63  }
0x12e: {  	_ =	swait.ge [sflag:s3], $0x2000  }
0x12f: {  	[sflag:s3] =	ssyncset.done $0x0  }
0x130: {  	[sflag:s3] =	ssyncadd.s32 $0xFFFFE000  }
0x131: {  	[hbm4b:s14+s2] =	stream.linear.scatter [tilespmem:s20], [sflag:$0x5], $0x2000, $0x38;
	[tilespmem:$0x1AE00] =	vst v63  }
0x132: {  	_ =	swait.ge [sflag:s19], $0x2000  }
0x133: {  	[sflag:s19] =	ssyncset.done $0x0  }
0x134: {  	s31 =	simm.s32 $0x14DC0;
	[sflag:s19] =	ssyncadd.s32 $0xFFFFE000  }
0x135: {  	[tilespmem:s20], [sflag:$0x4] =	stream.indirect.gather [hbm4b:s1+s30], $0x80, s31, s30, $0xb8;
	[tilespmem:$0x1AE00] =	vst v63  }
0x136: {  	_ =	swait.ge [sflag:s29], $0x2000  }
0x137: {  	[sflag:s29] =	ssyncset.done $0x0  }
0x138: {  	[sflag:s29] =	ssyncadd.s32 $0xFFFFE000  }
0x139: {  	[hbm4b:s15+s2] =	stream.linear.scatter [tilespmem:s26], [sflag:$0x5], $0x2000, $0x38;
	[tilespmem:$0x1AE00] =	vst v63  }
0x13a: {  	_ =	swait.ge [sflag:s19], $0x2000  }
0x13b: {  	[sflag:s19] =	ssyncset.done $0x0  }
0x13c: {  	[sflag:s19] =	ssyncadd.s32 $0xFFFFE000  }
0x13d: {  	_ =	swait.ge [sflag:s28], $0x2000  }
0x13e: {  	[sflag:s28] =	ssyncset.done $0x0  }
0x13f: {  	[sflag:s28] =	ssyncadd.s32 $0xFFFFE000  }
0x140: {  	[hbm4b:s16+s2] =	stream.linear.scatter [tilespmem:s0], [sflag:$0x5], $0x2000, $0x38;
	[tilespmem:$0x1AE00] =	vst v63  }
0x141: {  	_ =	swait.ge [sflag:s19], $0x2000  }
0x142: {  	[sflag:s19] =	ssyncset.done $0x0  }
0x143: {  	[sflag:s19] =	ssyncadd.s32 $0xFFFFE000  }
0x144: {  	s25 =	sadd.s32 $0x1, s25;
	_ =	swait.ge [sflag:s3], $0x2000  }
0x145: {  	p0 =	sne.s32 s25, s18;
	[sflag:s3] =	ssyncset.done $0x0  }
.Ltmp3:
0x146: {  	[sflag:s3] =	ssyncadd.s32 $0xFFFFE000;
	(pc) =	sbr.rel @p0 .LBB2_1-.Ltmp3, $4  }
0x147: {  	[hbm4b:s17+s2] =	stream.linear.scatter [tilespmem:s20], [sflag:$0x5], $0x2000, $0x38;
	[tilespmem:$0x1AE00] =	vst v63  }
0x148: {  	_ =	swait.ge [sflag:s19], $0x2000  }
0x149: {  	[sflag:s19] =	ssyncset.done $0x0  }
0x14a: {  	[sflag:s19] =	ssyncadd.s32 $0xFFFFE000  }
0x14b: {  	_ =	sfence.sel $0x180000  }
0x14c: {  	[bflag:$0x0] =	sbarrier.arrive $0xFFFF  }
0x14d: {  	_ =	strace $0x90000047  }
0x14e: {  	s0 =	stileid.u32;
	[bflag:$0x2] =	sbarrier.arrive $0xFFFF  }
0x14f: {  	p0 =	sne.s32 s0, $0x0;
	s0 =	rddreg [dreg:$0x4]  }
0x150: {  	s0 =	sadd.s32 @!p0 $0x100000, s0  }
0x151: {  	[sflag:s0] =	ssyncadd.tile.s32 @!p0 $0x1;
	_ =	shalt  }
.Lfunc_end2:
_tile_overlayer_lowered:
.L_overlay_start_2:
0x152: {  	(tag) =	ssettag $0x2  }
0x153: {  	s0 =	rddreg [dreg:$0x0];
	s2 =	stileid.u32  }
0x154: {  	s1 =	rddreg [dreg:$0x1];
	p0 =	sne.s32 s2, $0x0  }
0x155: {  	s3 =	rddreg [dreg:$0x2];
	[bflag:$0x3] =	sbarrier.arrive $0xFFFF;
	s2 =	simm.s32 @!p0 $0x1C05  }
0x156: {  	[timem:s3], [sflag:s2] =	dma.local @!p0 [hbm:s0], s1  }
0x157: {  	s0 =	simm.s32 @!p0 $0x5  }
0x158: {  	_ =	swait.ge @!p0 [sflag:s0], s1  }
0x159: {  	s1 =	ssub.s32 @!p0 $0x0, s1;
	[sflag:s0] =	ssyncset.done @!p0 $0x0  }
0x15a: {  	[sflag:s0] =	ssyncadd.s32 @!p0 s1  }
0x15b: {  	[bflag:$0x3] =	sbarrier.arrive $0xFFFF  }
0x15c: {  	_ =	shalt  }

</sc_bundles>
